<compile_context>
chip_gen: v7x
topology: tpu7x:2x2x1
jax: 0.10.2.dev20260603
libtpu: 0.0.44.dev20260713+nightly
codegen_flags: <defaults>
</compile_context>

<pallas_src>
import functools

import jax
import jax.numpy as jnp
from jax import lax
from jax.experimental import pallas as pl
from jax.experimental.pallas import tpu as pltpu
from jax.experimental.pallas import tpu_sc as plsc

D = 64
K = 1024
N = 36864
GAMMA = 0.99

NC = 2
NS = 16
NW = NC * NS
CHUNK = N // NW
SUB = 128
NSUB = CHUNK // SUB
NBUF = 4

BLK = 6144
AUG = 8


def _argmin_body(xt_ref, vqt_ref, idx_ref, v2_ref, vqn_ref):
    @pl.when(pl.program_id(0) == 0)
    def _():
        v2 = jnp.swapaxes(vqt_ref[...], 0, 1)
        v2 = v2 + v2
        v2_ref[...] = v2
        vqn_ref[...] = 0.25 * jnp.sum(v2 * v2, axis=1, keepdims=True)

    dot2 = lax.dot_general(v2_ref[...], xt_ref[...], (((1,), (0,)), ((), ())),
                           preferred_element_type=jnp.float32)
    idx_ref[...] = jnp.argmin(vqn_ref[...] - dot2, axis=0).astype(jnp.int32)


def _compute_indices(xt, vqt):
    return pl.pallas_call(
        _argmin_body,
        grid=(N // BLK,),
        in_specs=[
            pl.BlockSpec((D, BLK), lambda i: (0, i)),
            pl.BlockSpec((D, K), lambda i: (0, 0)),
        ],
        out_specs=pl.BlockSpec((BLK,), lambda i: (i,)),
        out_shape=jax.ShapeDtypeStruct((N,), jnp.int32),
        scratch_shapes=[pltpu.VMEM((K, D), jnp.float32),
                        pltpu.VMEM((K, 1), jnp.float32)],
    )(xt, vqt)


def _stats_body(xt_ref, idx_ref, est_ref, en_ref,
                vqt_ref, nst_ref, nn_ref, macc_ref):
    i = pl.program_id(0)

    @pl.when(i == 0)
    def _():
        macc_ref[...] = jnp.zeros_like(macc_ref)

    xt = xt_ref[...]
    idx = idx_ref[...]
    rows = lax.broadcasted_iota(jnp.int32, (K, BLK), 0)
    mask = (rows == idx[None, :]).astype(jnp.bfloat16)
    aug = (lax.broadcasted_iota(jnp.int32, (AUG, BLK), 0) == 0).astype(
        jnp.bfloat16)
    xa_t = jnp.concatenate([xt.astype(jnp.bfloat16), aug], axis=0)
    macc_ref[...] += lax.dot_general(mask, xa_t, (((1,), (1,)), ((), ())),
                                     preferred_element_type=jnp.float32)

    @pl.when(i == pl.num_programs(0) - 1)
    def _():
        macc = macc_ref[...]
        csum_t = jnp.swapaxes(macc[:, :D], 0, 1)
        cnt = jnp.sum(macc[:, D:], axis=1)
        new_sum_t = est_ref[...] * GAMMA + csum_t * (1.0 - GAMMA)
        new_n = en_ref[...] * GAMMA + cnt * (1.0 - GAMMA)
        nst_ref[...] = new_sum_t
        nn_ref[...] = new_n
        vqt_ref[...] = new_sum_t / new_n[None, :]


def _stats(xt, idx, ewma_sum_t, ewma_n):
    return pl.pallas_call(
        _stats_body,
        grid=(N // BLK,),
        in_specs=[
            pl.BlockSpec((D, BLK), lambda i: (0, i)),
            pl.BlockSpec((BLK,), lambda i: (i,)),
            pl.BlockSpec((D, K), lambda i: (0, 0)),
            pl.BlockSpec((K,), lambda i: (0,)),
        ],
        out_specs=[
            pl.BlockSpec((D, K), lambda i: (0, 0)),
            pl.BlockSpec((D, K), lambda i: (0, 0)),
            pl.BlockSpec((K,), lambda i: (0,)),
        ],
        out_shape=[
            jax.ShapeDtypeStruct((D, K), jnp.float32),
            jax.ShapeDtypeStruct((D, K), jnp.float32),
            jax.ShapeDtypeStruct((K,), jnp.float32),
        ],
        scratch_shapes=[pltpu.VMEM((K, D + AUG), jnp.float32)],
    )(xt, idx, ewma_sum_t, ewma_n)


def _sc_body(idx_hbm, vqp_hbm, quant_hbm, idx_v, g0, g1, g2, g3, vqs,
             sem_g, sem_w):
    cid = lax.axis_index("c")
    sid = lax.axis_index("s")
    wid = sid * NC + cid
    base = wid * CHUNK

    pltpu.sync_copy(vqp_hbm.at[pl.ds(sid * (K // NS), K // NS)],
                    vqs.at[pl.ds(sid * (K // NS), K // NS)])
    pltpu.sync_copy(idx_hbm.at[wid], idx_v)
    plsc.subcore_barrier()

    bufs = [g0, g1, g2, g3]
    gets = [pltpu.async_copy(vqs.at[idx_v.at[j]], bufs[j % NBUF], sem_g)
            for j in range(min(NBUF, NSUB))]
    gets += [None] * (NSUB - len(gets))
    writes = []
    for j in range(NSUB):
        gets[j].wait()
        writes.append(
            pltpu.async_copy(bufs[j % NBUF],
                             quant_hbm.at[pl.ds(base + j * SUB, SUB)], sem_w))
        nxt = j + NBUF
        if nxt < NSUB:
            if writes and nxt - NBUF >= 0:
                writes[nxt - NBUF].wait()
                writes[nxt - NBUF] = None
            gets[nxt] = pltpu.async_copy(vqs.at[idx_v.at[nxt]],
                                         bufs[nxt % NBUF], sem_g)
    for w in writes:
        if w is not None:
            w.wait()


@functools.cache
def _sc_stage():
    return functools.partial(
        pl.kernel,
        out_type=jax.ShapeDtypeStruct((N, 2 * D), jnp.float32),
        mesh=plsc.VectorSubcoreMesh(core_axis_name="c", subcore_axis_name="s",
                                    num_cores=NC, num_subcores=NS),
        scratch_types=[
            pltpu.VMEM((NSUB, SUB), jnp.int32),
            pltpu.VMEM((SUB, 2 * D), jnp.float32),
            pltpu.VMEM((SUB, 2 * D), jnp.float32),
            pltpu.VMEM((SUB, 2 * D), jnp.float32),
            pltpu.VMEM((SUB, 2 * D), jnp.float32),
            pltpu.VMEM_SHARED((K, 2 * D), jnp.float32),
            pltpu.SemaphoreType.DMA,
            pltpu.SemaphoreType.DMA,
        ],
    )(_sc_body)


def kernel(x, vq, ewma_centroid_sum, ewma_centroid_n):
    xt = jnp.swapaxes(x, 0, 1)
    vqt = jnp.swapaxes(vq, 0, 1)
    vqp = jnp.concatenate([vq, jnp.zeros((K, D), vq.dtype)], axis=1)
    idx = _compute_indices(xt, vqt)
    qpad = _sc_stage()(idx.reshape(NW, NSUB, SUB), vqp)
    new_vq_t, new_sum_t, new_n = _stats(xt, idx,
                                        jnp.swapaxes(ewma_centroid_sum, 0, 1),
                                        ewma_centroid_n)
    quantized = qpad[:, :D]
    return (quantized, jnp.swapaxes(new_vq_t, 0, 1),
            jnp.swapaxes(new_sum_t, 0, 1), new_n)

# --- scband reference (transcript-rebuilt; emitter-appended) ---
"""Pipeline reference for scband-vq-ewma-kmeans-231928234657 (READ-ONLY COPY).

The authoritative reference and input builder live on the scoring server;
editing this copy changes nothing except your own understanding.
"""

import jax, jax.numpy as jnp
import numpy as np

EMBEDDING_DIM = 64
NUM_EMBEDDINGS = 1024
N_TOKENS = 36864
GAMMA = 0.99


def setup_inputs(seed: int = 0) -> dict:
    key = jax.random.key(seed)
    k1, k2, k3 = jax.random.split(key, 3)
    x = jax.random.normal(k1, (N_TOKENS, EMBEDDING_DIM), dtype=jnp.float32)
    vq = jax.random.normal(k2, (NUM_EMBEDDINGS, EMBEDDING_DIM), dtype=jnp.float32)
    ewma_centroid_sum = jax.random.normal(k3, (NUM_EMBEDDINGS, EMBEDDING_DIM), dtype=jnp.float32)
    ewma_centroid_n = jnp.ones((NUM_EMBEDDINGS,), dtype=jnp.float32)
    return {
        "x": x,
        "vq": vq,
        "ewma_centroid_sum": ewma_centroid_sum,
        "ewma_centroid_n": ewma_centroid_n,
    }


def reference(x, vq, ewma_centroid_sum, ewma_centroid_n):
    # Faithful translation of VQ_EWMA_kmeans.call
    flat_inputs = x.reshape(-1, EMBEDDING_DIM)
    distances = (
        jnp.sum(flat_inputs ** 2, axis=1, keepdims=True)
        - 2.0 * jnp.dot(flat_inputs, vq.T)
        + jnp.sum(vq.T ** 2, axis=0, keepdims=True)
    )
    encoding_indices = jnp.argmax(-distances, axis=1)
    encoding_onehot = jax.nn.one_hot(encoding_indices, NUM_EMBEDDINGS, dtype=x.dtype)
    quantized = jnp.matmul(encoding_onehot, vq)
    # EWMA k-means state updates (Keras backend updates in the original)
    centroid_sum = jnp.matmul(encoding_onehot.T, x)
    centroid_n = jnp.sum(encoding_onehot, axis=0)
    new_ewma_centroid_sum = ewma_centroid_sum * GAMMA + centroid_sum * (1.0 - GAMMA)
    new_ewma_centroid_n = ewma_centroid_n * GAMMA + centroid_n * (1.0 - GAMMA)
    new_vq = new_ewma_centroid_sum / new_ewma_centroid_n.reshape(-1, 1)
    return quantized, new_vq, new_ewma_centroid_sum, new_ewma_centroid_n

if __name__ == "__main__":
    import jax
    _d = setup_inputs()
    print(jax.jit(kernel)(*tuple(_d.values())))

</pallas_src>

<mosaic_0001>
#map = affine_map<(d0, d1) -> (0, 0, 0)>
#map1 = affine_map<(d0, d1) -> (0, 0)>
module attributes {stable_mosaic.version = 14 : i64} {
  func.func @_sc_body(%arg0: i32, %arg1: i32, %arg2: memref<32x9x128xi32, #tpu.memory_space<hbm>>, %arg3: memref<1024x128xf32, #tpu.memory_space<hbm>>, %arg4: memref<36864x128xf32, #tpu.memory_space<hbm>>, %arg5: memref<9x128xi32, #tpu.memory_space<vmem>>, %arg6: memref<128x128xf32, #tpu.memory_space<vmem>>, %arg7: memref<128x128xf32, #tpu.memory_space<vmem>>, %arg8: memref<128x128xf32, #tpu.memory_space<vmem>>, %arg9: memref<128x128xf32, #tpu.memory_space<vmem>>, %arg10: memref<1024x128xf32, #tpu.memory_space<vmem_shared>>, %arg11: memref<!tpu.dma_semaphore, #tpu.memory_space<semaphore_mem>>, %arg12: memref<!tpu.dma_semaphore, #tpu.memory_space<semaphore_mem>>) attributes {dimension_semantics = [#tpu.dimension_semantics<core_parallel>, #tpu.dimension_semantics<subcore_parallel>], iteration_bounds = array<i64: 2, 16>, scalar_prefetch = 0 : i64, scratch_operands = 8 : i64, tpu.core_type = #tpu.core_type<sc_vector_subcore>, window_params = [{transform_indices = #map}, {transform_indices = #map1}, {transform_indices = #map1}]} {
    %mul3A = arith.constant 2 : i32
    %mul3A_0 = arith.muli %arg1, %mul3A : i32
    %add3A = arith.addi %mul3A_0, %arg0 : i32
    %mul3A_1 = arith.constant 1152 : i32
    %mul3A_2 = arith.muli %add3A, %mul3A_1 : i32
    %mul3A_3 = arith.constant 64 : i32
    %mul3A_4 = arith.muli %arg1, %mul3A_3 : i32
    %mul3A_5 = arith.constant 64 : i32
    %mul3A_6 = arith.muli %arg1, %mul3A_5 : i32
    "tpu.region"() ({
      %run_scoped3A = tpu.sem_alloc : memref<!tpu.dma_semaphore, #tpu.memory_space<semaphore_mem>>
      %dma_start3A_221 = arith.constant 0 : i32
      %dma_start3A_222 = tpu.memref_slice %arg10[%mul3A_6, %dma_start3A_221] : memref<1024x128xf32, #tpu.memory_space<vmem_shared>> -> memref<64x128xf32, #tpu.memory_space<vmem_shared>>
      %dma_start3A_223 = arith.constant 0 : i32
      %dma_start3A_224 = tpu.memref_slice %arg3[%mul3A_4, %dma_start3A_223] : memref<1024x128xf32, #tpu.memory_space<hbm>> -> memref<64x128xf32, #tpu.memory_space<hbm>>
      tpu.enqueue_dma source(%dma_start3A_224 : memref<64x128xf32, #tpu.memory_space<hbm>>) target(%dma_start3A_222 : memref<64x128xf32, #tpu.memory_space<vmem_shared>>) target_semaphore(%run_scoped3A : memref<!tpu.dma_semaphore, #tpu.memory_space<semaphore_mem>>)
      %dma_wait3A_225 = arith.constant 0 : i32
      %dma_wait3A_226 = tpu.memref_slice %arg10[%mul3A_6, %dma_wait3A_225] : memref<1024x128xf32, #tpu.memory_space<vmem_shared>> -> memref<64x128xf32, #tpu.memory_space<vmem_shared>>
      %dma_wait3A_227 = arith.constant 0 : i32
      %dma_wait3A_228 = tpu.memref_slice %arg3[%mul3A_4, %dma_wait3A_227] : memref<1024x128xf32, #tpu.memory_space<hbm>> -> memref<64x128xf32, #tpu.memory_space<hbm>>
      tpu.wait_dma2 semaphore(%run_scoped3A : memref<!tpu.dma_semaphore, #tpu.memory_space<semaphore_mem>>) src(%dma_wait3A_228 : memref<64x128xf32, #tpu.memory_space<hbm>>) dst(%dma_wait3A_226 : memref<64x128xf32, #tpu.memory_space<vmem_shared>>)
      tpu.yield
    }) : () -> ()
    "tpu.region"() ({
      %run_scoped3A = tpu.sem_alloc : memref<!tpu.dma_semaphore, #tpu.memory_space<semaphore_mem>>
      %dma_start3A_221 = arith.constant 0 : i32
      %dma_start3A_222 = arith.constant 0 : i32
      %dma_start3A_223 = tpu.memref_slice %arg2[%add3A, %dma_start3A_221, %dma_start3A_222] : memref<32x9x128xi32, #tpu.memory_space<hbm>> -> memref<1x9x128xi32, #tpu.memory_space<hbm>>
      %dma_start3A_224 = tpu.memref_squeeze %dma_start3A_223 : memref<1x9x128xi32, #tpu.memory_space<hbm>> -> memref<9x128xi32, #tpu.memory_space<hbm>>
      %dma_start3A_225 = arith.constant 0 : i32
      %dma_start3A_226 = arith.constant 0 : i32
      %dma_start3A_227 = tpu.memref_slice %arg2[%add3A, %dma_start3A_225, %dma_start3A_226] : memref<32x9x128xi32, #tpu.memory_space<hbm>> -> memref<1x9x128xi32, #tpu.memory_space<hbm>>
      %dma_start3A_228 = tpu.memref_squeeze %dma_start3A_227 : memref<1x9x128xi32, #tpu.memory_space<hbm>> -> memref<9x128xi32, #tpu.memory_space<hbm>>
      tpu.enqueue_dma source(%dma_start3A_228 : memref<9x128xi32, #tpu.memory_space<hbm>>) target(%arg5 : memref<9x128xi32, #tpu.memory_space<vmem>>) target_semaphore(%run_scoped3A : memref<!tpu.dma_semaphore, #tpu.memory_space<semaphore_mem>>)
      %dma_wait3A_229 = arith.constant 0 : i32
      %dma_wait3A_230 = arith.constant 0 : i32
      %dma_wait3A_231 = tpu.memref_slice %arg2[%add3A, %dma_wait3A_229, %dma_wait3A_230] : memref<32x9x128xi32, #tpu.memory_space<hbm>> -> memref<1x9x128xi32, #tpu.memory_space<hbm>>
      %dma_wait3A_232 = tpu.memref_squeeze %dma_wait3A_231 : memref<1x9x128xi32, #tpu.memory_space<hbm>> -> memref<9x128xi32, #tpu.memory_space<hbm>>
      %dma_wait3A_233 = arith.constant 0 : i32
      %dma_wait3A_234 = arith.constant 0 : i32
      %dma_wait3A_235 = tpu.memref_slice %arg2[%add3A, %dma_wait3A_233, %dma_wait3A_234] : memref<32x9x128xi32, #tpu.memory_space<hbm>> -> memref<1x9x128xi32, #tpu.memory_space<hbm>>
      %dma_wait3A_236 = tpu.memref_squeeze %dma_wait3A_235 : memref<1x9x128xi32, #tpu.memory_space<hbm>> -> memref<9x128xi32, #tpu.memory_space<hbm>>
      tpu.wait_dma2 semaphore(%run_scoped3A : memref<!tpu.dma_semaphore, #tpu.memory_space<semaphore_mem>>) src(%dma_wait3A_236 : memref<9x128xi32, #tpu.memory_space<hbm>>) dst(%arg5 : memref<9x128xi32, #tpu.memory_space<vmem>>)
      tpu.yield
    }) : () -> ()
    %barrier3A = arith.constant 0 : index
    tpu.barrier barrier_id(%barrier3A)
    %dma_start3A = arith.constant 0 : i32
    %dma_start3A_7 = arith.constant 0 : i32
    %dma_start3A_8 = tpu.memref_slice %arg5[%dma_start3A, %dma_start3A_7] : memref<9x128xi32, #tpu.memory_space<vmem>> -> memref<1x128xi32, #tpu.memory_space<vmem>>
    %dma_start3A_9 = tpu.memref_squeeze %dma_start3A_8 : memref<1x128xi32, #tpu.memory_space<vmem>> -> memref<128xi32, #tpu.memory_space<vmem>>
    %dma_start3A_10 = arith.constant 0 : i32
    %dma_start3A_11 = arith.constant 0 : i32
    %dma_start3A_12 = tpu.memref_slice %arg10[%dma_start3A_10, %dma_start3A_11] : memref<1024x128xf32, #tpu.memory_space<vmem_shared>> -> memref<1024x128xf32, #tpu.memory_space<vmem_shared>>
    tpu.enqueue_indirect_dma source(%dma_start3A_12 : memref<1024x128xf32, #tpu.memory_space<vmem_shared>>) target(%arg6 : memref<128x128xf32, #tpu.memory_space<vmem>>) offsets(%dma_start3A_9 : memref<128xi32, #tpu.memory_space<vmem>>) semaphore(%arg11 : memref<!tpu.dma_semaphore, #tpu.memory_space<semaphore_mem>>)
    %dma_start3A_13 = arith.constant 1 : i32
    %dma_start3A_14 = arith.constant 0 : i32
    %dma_start3A_15 = tpu.memref_slice %arg5[%dma_start3A_13, %dma_start3A_14] : memref<9x128xi32, #tpu.memory_space<vmem>> -> memref<1x128xi32, #tpu.memory_space<vmem>>
    %dma_start3A_16 = tpu.memref_squeeze %dma_start3A_15 : memref<1x128xi32, #tpu.memory_space<vmem>> -> memref<128xi32, #tpu.memory_space<vmem>>
    %dma_start3A_17 = arith.constant 0 : i32
    %dma_start3A_18 = arith.constant 0 : i32
    %dma_start3A_19 = tpu.memref_slice %arg10[%dma_start3A_17, %dma_start3A_18] : memref<1024x128xf32, #tpu.memory_space<vmem_shared>> -> memref<1024x128xf32, #tpu.memory_space<vmem_shared>>
    tpu.enqueue_indirect_dma source(%dma_start3A_19 : memref<1024x128xf32, #tpu.memory_space<vmem_shared>>) target(%arg7 : memref<128x128xf32, #tpu.memory_space<vmem>>) offsets(%dma_start3A_16 : memref<128xi32, #tpu.memory_space<vmem>>) semaphore(%arg11 : memref<!tpu.dma_semaphore, #tpu.memory_space<semaphore_mem>>)
    %dma_start3A_20 = arith.constant 2 : i32
    %dma_start3A_21 = arith.constant 0 : i32
    %dma_start3A_22 = tpu.memref_slice %arg5[%dma_start3A_20, %dma_start3A_21] : memref<9x128xi32, #tpu.memory_space<vmem>> -> memref<1x128xi32, #tpu.memory_space<vmem>>
    %dma_start3A_23 = tpu.memref_squeeze %dma_start3A_22 : memref<1x128xi32, #tpu.memory_space<vmem>> -> memref<128xi32, #tpu.memory_space<vmem>>
    %dma_start3A_24 = arith.constant 0 : i32
    %dma_start3A_25 = arith.constant 0 : i32
    %dma_start3A_26 = tpu.memref_slice %arg10[%dma_start3A_24, %dma_start3A_25] : memref<1024x128xf32, #tpu.memory_space<vmem_shared>> -> memref<1024x128xf32, #tpu.memory_space<vmem_shared>>
    tpu.enqueue_indirect_dma source(%dma_start3A_26 : memref<1024x128xf32, #tpu.memory_space<vmem_shared>>) target(%arg8 : memref<128x128xf32, #tpu.memory_space<vmem>>) offsets(%dma_start3A_23 : memref<128xi32, #tpu.memory_space<vmem>>) semaphore(%arg11 : memref<!tpu.dma_semaphore, #tpu.memory_space<semaphore_mem>>)
    %dma_start3A_27 = arith.constant 3 : i32
    %dma_start3A_28 = arith.constant 0 : i32
    %dma_start3A_29 = tpu.memref_slice %arg5[%dma_start3A_27, %dma_start3A_28] : memref<9x128xi32, #tpu.memory_space<vmem>> -> memref<1x128xi32, #tpu.memory_space<vmem>>
    %dma_start3A_30 = tpu.memref_squeeze %dma_start3A_29 : memref<1x128xi32, #tpu.memory_space<vmem>> -> memref<128xi32, #tpu.memory_space<vmem>>
    %dma_start3A_31 = arith.constant 0 : i32
    %dma_start3A_32 = arith.constant 0 : i32
    %dma_start3A_33 = tpu.memref_slice %arg10[%dma_start3A_31, %dma_start3A_32] : memref<1024x128xf32, #tpu.memory_space<vmem_shared>> -> memref<1024x128xf32, #tpu.memory_space<vmem_shared>>
    tpu.enqueue_indirect_dma source(%dma_start3A_33 : memref<1024x128xf32, #tpu.memory_space<vmem_shared>>) target(%arg9 : memref<128x128xf32, #tpu.memory_space<vmem>>) offsets(%dma_start3A_30 : memref<128xi32, #tpu.memory_space<vmem>>) semaphore(%arg11 : memref<!tpu.dma_semaphore, #tpu.memory_space<semaphore_mem>>)
    %dma_wait3A = arith.constant 0 : i32
    %dma_wait3A_34 = arith.constant 0 : i32
    %dma_wait3A_35 = tpu.memref_slice %arg5[%dma_wait3A, %dma_wait3A_34] : memref<9x128xi32, #tpu.memory_space<vmem>> -> memref<1x128xi32, #tpu.memory_space<vmem>>
    %dma_wait3A_36 = tpu.memref_squeeze %dma_wait3A_35 : memref<1x128xi32, #tpu.memory_space<vmem>> -> memref<128xi32, #tpu.memory_space<vmem>>
    %dma_wait3A_37 = arith.constant 0 : i32
    %dma_wait3A_38 = arith.constant 0 : i32
    %dma_wait3A_39 = tpu.memref_slice %arg10[%dma_wait3A_37, %dma_wait3A_38] : memref<1024x128xf32, #tpu.memory_space<vmem_shared>> -> memref<1024x128xf32, #tpu.memory_space<vmem_shared>>
    tpu.wait_indirect_dma semaphore(%arg11 : memref<!tpu.dma_semaphore, #tpu.memory_space<semaphore_mem>>) src(%dma_wait3A_39 : memref<1024x128xf32, #tpu.memory_space<vmem_shared>>) dst(%arg6 : memref<128x128xf32, #tpu.memory_space<vmem>>)
    %add3A_40 = arith.constant 0 : i32
    %add3A_41 = arith.addi %mul3A_2, %add3A_40 : i32
    %dma_start3A_42 = arith.constant 0 : i32
    %dma_start3A_43 = tpu.memref_slice %arg4[%add3A_41, %dma_start3A_42] : memref<36864x128xf32, #tpu.memory_space<hbm>> -> memref<128x128xf32, #tpu.memory_space<hbm>>
    %dma_start3A_44 = arith.constant 0 : i32
    %dma_start3A_45 = tpu.memref_slice %arg4[%add3A_41, %dma_start3A_44] : memref<36864x128xf32, #tpu.memory_space<hbm>> -> memref<128x128xf32, #tpu.memory_space<hbm>>
    tpu.enqueue_dma source(%arg6 : memref<128x128xf32, #tpu.memory_space<vmem>>) target(%dma_start3A_45 : memref<128x128xf32, #tpu.memory_space<hbm>>) target_semaphore(%arg12 : memref<!tpu.dma_semaphore, #tpu.memory_space<semaphore_mem>>)
    %dma_wait3A_46 = arith.constant 0 : i32
    %dma_wait3A_47 = tpu.memref_slice %arg4[%add3A_41, %dma_wait3A_46] : memref<36864x128xf32, #tpu.memory_space<hbm>> -> memref<128x128xf32, #tpu.memory_space<hbm>>
    %dma_wait3A_48 = arith.constant 0 : i32
    %dma_wait3A_49 = tpu.memref_slice %arg4[%add3A_41, %dma_wait3A_48] : memref<36864x128xf32, #tpu.memory_space<hbm>> -> memref<128x128xf32, #tpu.memory_space<hbm>>
    tpu.wait_dma2 semaphore(%arg12 : memref<!tpu.dma_semaphore, #tpu.memory_space<semaphore_mem>>) src(%arg6 : memref<128x128xf32, #tpu.memory_space<vmem>>) dst(%dma_wait3A_49 : memref<128x128xf32, #tpu.memory_space<hbm>>)
    %dma_start3A_50 = arith.constant 4 : i32
    %dma_start3A_51 = arith.constant 0 : i32
    %dma_start3A_52 = tpu.memref_slice %arg5[%dma_start3A_50, %dma_start3A_51] : memref<9x128xi32, #tpu.memory_space<vmem>> -> memref<1x128xi32, #tpu.memory_space<vmem>>
    %dma_start3A_53 = tpu.memref_squeeze %dma_start3A_52 : memref<1x128xi32, #tpu.memory_space<vmem>> -> memref<128xi32, #tpu.memory_space<vmem>>
    %dma_start3A_54 = arith.constant 0 : i32
    %dma_start3A_55 = arith.constant 0 : i32
    %dma_start3A_56 = tpu.memref_slice %arg10[%dma_start3A_54, %dma_start3A_55] : memref<1024x128xf32, #tpu.memory_space<vmem_shared>> -> memref<1024x128xf32, #tpu.memory_space<vmem_shared>>
    tpu.enqueue_indirect_dma source(%dma_start3A_56 : memref<1024x128xf32, #tpu.memory_space<vmem_shared>>) target(%arg6 : memref<128x128xf32, #tpu.memory_space<vmem>>) offsets(%dma_start3A_53 : memref<128xi32, #tpu.memory_space<vmem>>) semaphore(%arg11 : memref<!tpu.dma_semaphore, #tpu.memory_space<semaphore_mem>>)
    %dma_wait3A_57 = arith.constant 1 : i32
    %dma_wait3A_58 = arith.constant 0 : i32
    %dma_wait3A_59 = tpu.memref_slice %arg5[%dma_wait3A_57, %dma_wait3A_58] : memref<9x128xi32, #tpu.memory_space<vmem>> -> memref<1x128xi32, #tpu.memory_space<vmem>>
    %dma_wait3A_60 = tpu.memref_squeeze %dma_wait3A_59 : memref<1x128xi32, #tpu.memory_space<vmem>> -> memref<128xi32, #tpu.memory_space<vmem>>
    %dma_wait3A_61 = arith.constant 0 : i32
    %dma_wait3A_62 = arith.constant 0 : i32
    %dma_wait3A_63 = tpu.memref_slice %arg10[%dma_wait3A_61, %dma_wait3A_62] : memref<1024x128xf32, #tpu.memory_space<vmem_shared>> -> memref<1024x128xf32, #tpu.memory_space<vmem_shared>>
    tpu.wait_indirect_dma semaphore(%arg11 : memref<!tpu.dma_semaphore, #tpu.memory_space<semaphore_mem>>) src(%dma_wait3A_63 : memref<1024x128xf32, #tpu.memory_space<vmem_shared>>) dst(%arg7 : memref<128x128xf32, #tpu.memory_space<vmem>>)
    %add3A_64 = arith.constant 128 : i32
    %add3A_65 = arith.addi %mul3A_2, %add3A_64 : i32
    %dma_start3A_66 = arith.constant 0 : i32
    %dma_start3A_67 = tpu.memref_slice %arg4[%add3A_65, %dma_start3A_66] : memref<36864x128xf32, #tpu.memory_space<hbm>> -> memref<128x128xf32, #tpu.memory_space<hbm>>
    %dma_start3A_68 = arith.constant 0 : i32
    %dma_start3A_69 = tpu.memref_slice %arg4[%add3A_65, %dma_start3A_68] : memref<36864x128xf32, #tpu.memory_space<hbm>> -> memref<128x128xf32, #tpu.memory_space<hbm>>
    tpu.enqueue_dma source(%arg7 : memref<128x128xf32, #tpu.memory_space<vmem>>) target(%dma_start3A_69 : memref<128x128xf32, #tpu.memory_space<hbm>>) target_semaphore(%arg12 : memref<!tpu.dma_semaphore, #tpu.memory_space<semaphore_mem>>)
    %dma_wait3A_70 = arith.constant 0 : i32
    %dma_wait3A_71 = tpu.memref_slice %arg4[%add3A_65, %dma_wait3A_70] : memref<36864x128xf32, #tpu.memory_space<hbm>> -> memref<128x128xf32, #tpu.memory_space<hbm>>
    %dma_wait3A_72 = arith.constant 0 : i32
    %dma_wait3A_73 = tpu.memref_slice %arg4[%add3A_65, %dma_wait3A_72] : memref<36864x128xf32, #tpu.memory_space<hbm>> -> memref<128x128xf32, #tpu.memory_space<hbm>>
    tpu.wait_dma2 semaphore(%arg12 : memref<!tpu.dma_semaphore, #tpu.memory_space<semaphore_mem>>) src(%arg7 : memref<128x128xf32, #tpu.memory_space<vmem>>) dst(%dma_wait3A_73 : memref<128x128xf32, #tpu.memory_space<hbm>>)
    %dma_start3A_74 = arith.constant 5 : i32
    %dma_start3A_75 = arith.constant 0 : i32
    %dma_start3A_76 = tpu.memref_slice %arg5[%dma_start3A_74, %dma_start3A_75] : memref<9x128xi32, #tpu.memory_space<vmem>> -> memref<1x128xi32, #tpu.memory_space<vmem>>
    %dma_start3A_77 = tpu.memref_squeeze %dma_start3A_76 : memref<1x128xi32, #tpu.memory_space<vmem>> -> memref<128xi32, #tpu.memory_space<vmem>>
    %dma_start3A_78 = arith.constant 0 : i32
    %dma_start3A_79 = arith.constant 0 : i32
    %dma_start3A_80 = tpu.memref_slice %arg10[%dma_start3A_78, %dma_start3A_79] : memref<1024x128xf32, #tpu.memory_space<vmem_shared>> -> memref<1024x128xf32, #tpu.memory_space<vmem_shared>>
    tpu.enqueue_indirect_dma source(%dma_start3A_80 : memref<1024x128xf32, #tpu.memory_space<vmem_shared>>) target(%arg7 : memref<128x128xf32, #tpu.memory_space<vmem>>) offsets(%dma_start3A_77 : memref<128xi32, #tpu.memory_space<vmem>>) semaphore(%arg11 : memref<!tpu.dma_semaphore, #tpu.memory_space<semaphore_mem>>)
    %dma_wait3A_81 = arith.constant 2 : i32
    %dma_wait3A_82 = arith.constant 0 : i32
    %dma_wait3A_83 = tpu.memref_slice %arg5[%dma_wait3A_81, %dma_wait3A_82] : memref<9x128xi32, #tpu.memory_space<vmem>> -> memref<1x128xi32, #tpu.memory_space<vmem>>
    %dma_wait3A_84 = tpu.memref_squeeze %dma_wait3A_83 : memref<1x128xi32, #tpu.memory_space<vmem>> -> memref<128xi32, #tpu.memory_space<vmem>>
    %dma_wait3A_85 = arith.constant 0 : i32
    %dma_wait3A_86 = arith.constant 0 : i32
    %dma_wait3A_87 = tpu.memref_slice %arg10[%dma_wait3A_85, %dma_wait3A_86] : memref<1024x128xf32, #tpu.memory_space<vmem_shared>> -> memref<1024x128xf32, #tpu.memory_space<vmem_shared>>
    tpu.wait_indirect_dma semaphore(%arg11 : memref<!tpu.dma_semaphore, #tpu.memory_space<semaphore_mem>>) src(%dma_wait3A_87 : memref<1024x128xf32, #tpu.memory_space<vmem_shared>>) dst(%arg8 : memref<128x128xf32, #tpu.memory_space<vmem>>)
    %add3A_88 = arith.constant 256 : i32
    %add3A_89 = arith.addi %mul3A_2, %add3A_88 : i32
    %dma_start3A_90 = arith.constant 0 : i32
    %dma_start3A_91 = tpu.memref_slice %arg4[%add3A_89, %dma_start3A_90] : memref<36864x128xf32, #tpu.memory_space<hbm>> -> memref<128x128xf32, #tpu.memory_space<hbm>>
    %dma_start3A_92 = arith.constant 0 : i32
    %dma_start3A_93 = tpu.memref_slice %arg4[%add3A_89, %dma_start3A_92] : memref<36864x128xf32, #tpu.memory_space<hbm>> -> memref<128x128xf32, #tpu.memory_space<hbm>>
    tpu.enqueue_dma source(%arg8 : memref<128x128xf32, #tpu.memory_space<vmem>>) target(%dma_start3A_93 : memref<128x128xf32, #tpu.memory_space<hbm>>) target_semaphore(%arg12 : memref<!tpu.dma_semaphore, #tpu.memory_space<semaphore_mem>>)
    %dma_wait3A_94 = arith.constant 0 : i32
    %dma_wait3A_95 = tpu.memref_slice %arg4[%add3A_89, %dma_wait3A_94] : memref<36864x128xf32, #tpu.memory_space<hbm>> -> memref<128x128xf32, #tpu.memory_space<hbm>>
    %dma_wait3A_96 = arith.constant 0 : i32
    %dma_wait3A_97 = tpu.memref_slice %arg4[%add3A_89, %dma_wait3A_96] : memref<36864x128xf32, #tpu.memory_space<hbm>> -> memref<128x128xf32, #tpu.memory_space<hbm>>
    tpu.wait_dma2 semaphore(%arg12 : memref<!tpu.dma_semaphore, #tpu.memory_space<semaphore_mem>>) src(%arg8 : memref<128x128xf32, #tpu.memory_space<vmem>>) dst(%dma_wait3A_97 : memref<128x128xf32, #tpu.memory_space<hbm>>)
    %dma_start3A_98 = arith.constant 6 : i32
    %dma_start3A_99 = arith.constant 0 : i32
    %dma_start3A_100 = tpu.memref_slice %arg5[%dma_start3A_98, %dma_start3A_99] : memref<9x128xi32, #tpu.memory_space<vmem>> -> memref<1x128xi32, #tpu.memory_space<vmem>>
    %dma_start3A_101 = tpu.memref_squeeze %dma_start3A_100 : memref<1x128xi32, #tpu.memory_space<vmem>> -> memref<128xi32, #tpu.memory_space<vmem>>
    %dma_start3A_102 = arith.constant 0 : i32
    %dma_start3A_103 = arith.constant 0 : i32
    %dma_start3A_104 = tpu.memref_slice %arg10[%dma_start3A_102, %dma_start3A_103] : memref<1024x128xf32, #tpu.memory_space<vmem_shared>> -> memref<1024x128xf32, #tpu.memory_space<vmem_shared>>
    tpu.enqueue_indirect_dma source(%dma_start3A_104 : memref<1024x128xf32, #tpu.memory_space<vmem_shared>>) target(%arg8 : memref<128x128xf32, #tpu.memory_space<vmem>>) offsets(%dma_start3A_101 : memref<128xi32, #tpu.memory_space<vmem>>) semaphore(%arg11 : memref<!tpu.dma_semaphore, #tpu.memory_space<semaphore_mem>>)
    %dma_wait3A_105 = arith.constant 3 : i32
    %dma_wait3A_106 = arith.constant 0 : i32
    %dma_wait3A_107 = tpu.memref_slice %arg5[%dma_wait3A_105, %dma_wait3A_106] : memref<9x128xi32, #tpu.memory_space<vmem>> -> memref<1x128xi32, #tpu.memory_space<vmem>>
    %dma_wait3A_108 = tpu.memref_squeeze %dma_wait3A_107 : memref<1x128xi32, #tpu.memory_space<vmem>> -> memref<128xi32, #tpu.memory_space<vmem>>
    %dma_wait3A_109 = arith.constant 0 : i32
    %dma_wait3A_110 = arith.constant 0 : i32
    %dma_wait3A_111 = tpu.memref_slice %arg10[%dma_wait3A_109, %dma_wait3A_110] : memref<1024x128xf32, #tpu.memory_space<vmem_shared>> -> memref<1024x128xf32, #tpu.memory_space<vmem_shared>>
    tpu.wait_indirect_dma semaphore(%arg11 : memref<!tpu.dma_semaphore, #tpu.memory_space<semaphore_mem>>) src(%dma_wait3A_111 : memref<1024x128xf32, #tpu.memory_space<vmem_shared>>) dst(%arg9 : memref<128x128xf32, #tpu.memory_space<vmem>>)
    %add3A_112 = arith.constant 384 : i32
    %add3A_113 = arith.addi %mul3A_2, %add3A_112 : i32
    %dma_start3A_114 = arith.constant 0 : i32
    %dma_start3A_115 = tpu.memref_slice %arg4[%add3A_113, %dma_start3A_114] : memref<36864x128xf32, #tpu.memory_space<hbm>> -> memref<128x128xf32, #tpu.memory_space<hbm>>
    %dma_start3A_116 = arith.constant 0 : i32
    %dma_start3A_117 = tpu.memref_slice %arg4[%add3A_113, %dma_start3A_116] : memref<36864x128xf32, #tpu.memory_space<hbm>> -> memref<128x128xf32, #tpu.memory_space<hbm>>
    tpu.enqueue_dma source(%arg9 : memref<128x128xf32, #tpu.memory_space<vmem>>) target(%dma_start3A_117 : memref<128x128xf32, #tpu.memory_space<hbm>>) target_semaphore(%arg12 : memref<!tpu.dma_semaphore, #tpu.memory_space<semaphore_mem>>)
    %dma_wait3A_118 = arith.constant 0 : i32
    %dma_wait3A_119 = tpu.memref_slice %arg4[%add3A_113, %dma_wait3A_118] : memref<36864x128xf32, #tpu.memory_space<hbm>> -> memref<128x128xf32, #tpu.memory_space<hbm>>
    %dma_wait3A_120 = arith.constant 0 : i32
    %dma_wait3A_121 = tpu.memref_slice %arg4[%add3A_113, %dma_wait3A_120] : memref<36864x128xf32, #tpu.memory_space<hbm>> -> memref<128x128xf32, #tpu.memory_space<hbm>>
    tpu.wait_dma2 semaphore(%arg12 : memref<!tpu.dma_semaphore, #tpu.memory_space<semaphore_mem>>) src(%arg9 : memref<128x128xf32, #tpu.memory_space<vmem>>) dst(%dma_wait3A_121 : memref<128x128xf32, #tpu.memory_space<hbm>>)
    %dma_start3A_122 = arith.constant 7 : i32
    %dma_start3A_123 = arith.constant 0 : i32
    %dma_start3A_124 = tpu.memref_slice %arg5[%dma_start3A_122, %dma_start3A_123] : memref<9x128xi32, #tpu.memory_space<vmem>> -> memref<1x128xi32, #tpu.memory_space<vmem>>
    %dma_start3A_125 = tpu.memref_squeeze %dma_start3A_124 : memref<1x128xi32, #tpu.memory_space<vmem>> -> memref<128xi32, #tpu.memory_space<vmem>>
    %dma_start3A_126 = arith.constant 0 : i32
    %dma_start3A_127 = arith.constant 0 : i32
    %dma_start3A_128 = tpu.memref_slice %arg10[%dma_start3A_126, %dma_start3A_127] : memref<1024x128xf32, #tpu.memory_space<vmem_shared>> -> memref<1024x128xf32, #tpu.memory_space<vmem_shared>>
    tpu.enqueue_indirect_dma source(%dma_start3A_128 : memref<1024x128xf32, #tpu.memory_space<vmem_shared>>) target(%arg9 : memref<128x128xf32, #tpu.memory_space<vmem>>) offsets(%dma_start3A_125 : memref<128xi32, #tpu.memory_space<vmem>>) semaphore(%arg11 : memref<!tpu.dma_semaphore, #tpu.memory_space<semaphore_mem>>)
    %dma_wait3A_129 = arith.constant 4 : i32
    %dma_wait3A_130 = arith.constant 0 : i32
    %dma_wait3A_131 = tpu.memref_slice %arg5[%dma_wait3A_129, %dma_wait3A_130] : memref<9x128xi32, #tpu.memory_space<vmem>> -> memref<1x128xi32, #tpu.memory_space<vmem>>
    %dma_wait3A_132 = tpu.memref_squeeze %dma_wait3A_131 : memref<1x128xi32, #tpu.memory_space<vmem>> -> memref<128xi32, #tpu.memory_space<vmem>>
    %dma_wait3A_133 = arith.constant 0 : i32
    %dma_wait3A_134 = arith.constant 0 : i32
    %dma_wait3A_135 = tpu.memref_slice %arg10[%dma_wait3A_133, %dma_wait3A_134] : memref<1024x128xf32, #tpu.memory_space<vmem_shared>> -> memref<1024x128xf32, #tpu.memory_space<vmem_shared>>
    tpu.wait_indirect_dma semaphore(%arg11 : memref<!tpu.dma_semaphore, #tpu.memory_space<semaphore_mem>>) src(%dma_wait3A_135 : memref<1024x128xf32, #tpu.memory_space<vmem_shared>>) dst(%arg6 : memref<128x128xf32, #tpu.memory_space<vmem>>)
    %add3A_136 = arith.constant 512 : i32
    %add3A_137 = arith.addi %mul3A_2, %add3A_136 : i32
    %dma_start3A_138 = arith.constant 0 : i32
    %dma_start3A_139 = tpu.memref_slice %arg4[%add3A_137, %dma_start3A_138] : memref<36864x128xf32, #tpu.memory_space<hbm>> -> memref<128x128xf32, #tpu.memory_space<hbm>>
    %dma_start3A_140 = arith.constant 0 : i32
    %dma_start3A_141 = tpu.memref_slice %arg4[%add3A_137, %dma_start3A_140] : memref<36864x128xf32, #tpu.memory_space<hbm>> -> memref<128x128xf32, #tpu.memory_space<hbm>>
    tpu.enqueue_dma source(%arg6 : memref<128x128xf32, #tpu.memory_space<vmem>>) target(%dma_start3A_141 : memref<128x128xf32, #tpu.memory_space<hbm>>) target_semaphore(%arg12 : memref<!tpu.dma_semaphore, #tpu.memory_space<semaphore_mem>>)
    %dma_wait3A_142 = arith.constant 0 : i32
    %dma_wait3A_143 = tpu.memref_slice %arg4[%add3A_137, %dma_wait3A_142] : memref<36864x128xf32, #tpu.memory_space<hbm>> -> memref<128x128xf32, #tpu.memory_space<hbm>>
    %dma_wait3A_144 = arith.constant 0 : i32
    %dma_wait3A_145 = tpu.memref_slice %arg4[%add3A_137, %dma_wait3A_144] : memref<36864x128xf32, #tpu.memory_space<hbm>> -> memref<128x128xf32, #tpu.memory_space<hbm>>
    tpu.wait_dma2 semaphore(%arg12 : memref<!tpu.dma_semaphore, #tpu.memory_space<semaphore_mem>>) src(%arg6 : memref<128x128xf32, #tpu.memory_space<vmem>>) dst(%dma_wait3A_145 : memref<128x128xf32, #tpu.memory_space<hbm>>)
    %dma_start3A_146 = arith.constant 8 : i32
    %dma_start3A_147 = arith.constant 0 : i32
    %dma_start3A_148 = tpu.memref_slice %arg5[%dma_start3A_146, %dma_start3A_147] : memref<9x128xi32, #tpu.memory_space<vmem>> -> memref<1x128xi32, #tpu.memory_space<vmem>>
    %dma_start3A_149 = tpu.memref_squeeze %dma_start3A_148 : memref<1x128xi32, #tpu.memory_space<vmem>> -> memref<128xi32, #tpu.memory_space<vmem>>
    %dma_start3A_150 = arith.constant 0 : i32
    %dma_start3A_151 = arith.constant 0 : i32
    %dma_start3A_152 = tpu.memref_slice %arg10[%dma_start3A_150, %dma_start3A_151] : memref<1024x128xf32, #tpu.memory_space<vmem_shared>> -> memref<1024x128xf32, #tpu.memory_space<vmem_shared>>
    tpu.enqueue_indirect_dma source(%dma_start3A_152 : memref<1024x128xf32, #tpu.memory_space<vmem_shared>>) target(%arg6 : memref<128x128xf32, #tpu.memory_space<vmem>>) offsets(%dma_start3A_149 : memref<128xi32, #tpu.memory_space<vmem>>) semaphore(%arg11 : memref<!tpu.dma_semaphore, #tpu.memory_space<semaphore_mem>>)
    %dma_wait3A_153 = arith.constant 5 : i32
    %dma_wait3A_154 = arith.constant 0 : i32
    %dma_wait3A_155 = tpu.memref_slice %arg5[%dma_wait3A_153, %dma_wait3A_154] : memref<9x128xi32, #tpu.memory_space<vmem>> -> memref<1x128xi32, #tpu.memory_space<vmem>>
    %dma_wait3A_156 = tpu.memref_squeeze %dma_wait3A_155 : memref<1x128xi32, #tpu.memory_space<vmem>> -> memref<128xi32, #tpu.memory_space<vmem>>
    %dma_wait3A_157 = arith.constant 0 : i32
    %dma_wait3A_158 = arith.constant 0 : i32
    %dma_wait3A_159 = tpu.memref_slice %arg10[%dma_wait3A_157, %dma_wait3A_158] : memref<1024x128xf32, #tpu.memory_space<vmem_shared>> -> memref<1024x128xf32, #tpu.memory_space<vmem_shared>>
    tpu.wait_indirect_dma semaphore(%arg11 : memref<!tpu.dma_semaphore, #tpu.memory_space<semaphore_mem>>) src(%dma_wait3A_159 : memref<1024x128xf32, #tpu.memory_space<vmem_shared>>) dst(%arg7 : memref<128x128xf32, #tpu.memory_space<vmem>>)
    %add3A_160 = arith.constant 640 : i32
    %add3A_161 = arith.addi %mul3A_2, %add3A_160 : i32
    %dma_start3A_162 = arith.constant 0 : i32
    %dma_start3A_163 = tpu.memref_slice %arg4[%add3A_161, %dma_start3A_162] : memref<36864x128xf32, #tpu.memory_space<hbm>> -> memref<128x128xf32, #tpu.memory_space<hbm>>
    %dma_start3A_164 = arith.constant 0 : i32
    %dma_start3A_165 = tpu.memref_slice %arg4[%add3A_161, %dma_start3A_164] : memref<36864x128xf32, #tpu.memory_space<hbm>> -> memref<128x128xf32, #tpu.memory_space<hbm>>
    tpu.enqueue_dma source(%arg7 : memref<128x128xf32, #tpu.memory_space<vmem>>) target(%dma_start3A_165 : memref<128x128xf32, #tpu.memory_space<hbm>>) target_semaphore(%arg12 : memref<!tpu.dma_semaphore, #tpu.memory_space<semaphore_mem>>)
    %dma_wait3A_166 = arith.constant 6 : i32
    %dma_wait3A_167 = arith.constant 0 : i32
    %dma_wait3A_168 = tpu.memref_slice %arg5[%dma_wait3A_166, %dma_wait3A_167] : memref<9x128xi32, #tpu.memory_space<vmem>> -> memref<1x128xi32, #tpu.memory_space<vmem>>
    %dma_wait3A_169 = tpu.memref_squeeze %dma_wait3A_168 : memref<1x128xi32, #tpu.memory_space<vmem>> -> memref<128xi32, #tpu.memory_space<vmem>>
    %dma_wait3A_170 = arith.constant 0 : i32
    %dma_wait3A_171 = arith.constant 0 : i32
    %dma_wait3A_172 = tpu.memref_slice %arg10[%dma_wait3A_170, %dma_wait3A_171] : memref<1024x128xf32, #tpu.memory_space<vmem_shared>> -> memref<1024x128xf32, #tpu.memory_space<vmem_shared>>
    tpu.wait_indirect_dma semaphore(%arg11 : memref<!tpu.dma_semaphore, #tpu.memory_space<semaphore_mem>>) src(%dma_wait3A_172 : memref<1024x128xf32, #tpu.memory_space<vmem_shared>>) dst(%arg8 : memref<128x128xf32, #tpu.memory_space<vmem>>)
    %add3A_173 = arith.constant 768 : i32
    %add3A_174 = arith.addi %mul3A_2, %add3A_173 : i32
    %dma_start3A_175 = arith.constant 0 : i32
    %dma_start3A_176 = tpu.memref_slice %arg4[%add3A_174, %dma_start3A_175] : memref<36864x128xf32, #tpu.memory_space<hbm>> -> memref<128x128xf32, #tpu.memory_space<hbm>>
    %dma_start3A_177 = arith.constant 0 : i32
    %dma_start3A_178 = tpu.memref_slice %arg4[%add3A_174, %dma_start3A_177] : memref<36864x128xf32, #tpu.memory_space<hbm>> -> memref<128x128xf32, #tpu.memory_space<hbm>>
    tpu.enqueue_dma source(%arg8 : memref<128x128xf32, #tpu.memory_space<vmem>>) target(%dma_start3A_178 : memref<128x128xf32, #tpu.memory_space<hbm>>) target_semaphore(%arg12 : memref<!tpu.dma_semaphore, #tpu.memory_space<semaphore_mem>>)
    %dma_wait3A_179 = arith.constant 7 : i32
    %dma_wait3A_180 = arith.constant 0 : i32
    %dma_wait3A_181 = tpu.memref_slice %arg5[%dma_wait3A_179, %dma_wait3A_180] : memref<9x128xi32, #tpu.memory_space<vmem>> -> memref<1x128xi32, #tpu.memory_space<vmem>>
    %dma_wait3A_182 = tpu.memref_squeeze %dma_wait3A_181 : memref<1x128xi32, #tpu.memory_space<vmem>> -> memref<128xi32, #tpu.memory_space<vmem>>
    %dma_wait3A_183 = arith.constant 0 : i32
    %dma_wait3A_184 = arith.constant 0 : i32
    %dma_wait3A_185 = tpu.memref_slice %arg10[%dma_wait3A_183, %dma_wait3A_184] : memref<1024x128xf32, #tpu.memory_space<vmem_shared>> -> memref<1024x128xf32, #tpu.memory_space<vmem_shared>>
    tpu.wait_indirect_dma semaphore(%arg11 : memref<!tpu.dma_semaphore, #tpu.memory_space<semaphore_mem>>) src(%dma_wait3A_185 : memref<1024x128xf32, #tpu.memory_space<vmem_shared>>) dst(%arg9 : memref<128x128xf32, #tpu.memory_space<vmem>>)
    %add3A_186 = arith.constant 896 : i32
    %add3A_187 = arith.addi %mul3A_2, %add3A_186 : i32
    %dma_start3A_188 = arith.constant 0 : i32
    %dma_start3A_189 = tpu.memref_slice %arg4[%add3A_187, %dma_start3A_188] : memref<36864x128xf32, #tpu.memory_space<hbm>> -> memref<128x128xf32, #tpu.memory_space<hbm>>
    %dma_start3A_190 = arith.constant 0 : i32
    %dma_start3A_191 = tpu.memref_slice %arg4[%add3A_187, %dma_start3A_190] : memref<36864x128xf32, #tpu.memory_space<hbm>> -> memref<128x128xf32, #tpu.memory_space<hbm>>
    tpu.enqueue_dma source(%arg9 : memref<128x128xf32, #tpu.memory_space<vmem>>) target(%dma_start3A_191 : memref<128x128xf32, #tpu.memory_space<hbm>>) target_semaphore(%arg12 : memref<!tpu.dma_semaphore, #tpu.memory_space<semaphore_mem>>)
    %dma_wait3A_192 = arith.constant 8 : i32
    %dma_wait3A_193 = arith.constant 0 : i32
    %dma_wait3A_194 = tpu.memref_slice %arg5[%dma_wait3A_192, %dma_wait3A_193] : memref<9x128xi32, #tpu.memory_space<vmem>> -> memref<1x128xi32, #tpu.memory_space<vmem>>
    %dma_wait3A_195 = tpu.memref_squeeze %dma_wait3A_194 : memref<1x128xi32, #tpu.memory_space<vmem>> -> memref<128xi32, #tpu.memory_space<vmem>>
    %dma_wait3A_196 = arith.constant 0 : i32
    %dma_wait3A_197 = arith.constant 0 : i32
    %dma_wait3A_198 = tpu.memref_slice %arg10[%dma_wait3A_196, %dma_wait3A_197] : memref<1024x128xf32, #tpu.memory_space<vmem_shared>> -> memref<1024x128xf32, #tpu.memory_space<vmem_shared>>
    tpu.wait_indirect_dma semaphore(%arg11 : memref<!tpu.dma_semaphore, #tpu.memory_space<semaphore_mem>>) src(%dma_wait3A_198 : memref<1024x128xf32, #tpu.memory_space<vmem_shared>>) dst(%arg6 : memref<128x128xf32, #tpu.memory_space<vmem>>)
    %add3A_199 = arith.constant 1024 : i32
    %add3A_200 = arith.addi %mul3A_2, %add3A_199 : i32
    %dma_start3A_201 = arith.constant 0 : i32
    %dma_start3A_202 = tpu.memref_slice %arg4[%add3A_200, %dma_start3A_201] : memref<36864x128xf32, #tpu.memory_space<hbm>> -> memref<128x128xf32, #tpu.memory_space<hbm>>
    %dma_start3A_203 = arith.constant 0 : i32
    %dma_start3A_204 = tpu.memref_slice %arg4[%add3A_200, %dma_start3A_203] : memref<36864x128xf32, #tpu.memory_space<hbm>> -> memref<128x128xf32, #tpu.memory_space<hbm>>
    tpu.enqueue_dma source(%arg6 : memref<128x128xf32, #tpu.memory_space<vmem>>) target(%dma_start3A_204 : memref<128x128xf32, #tpu.memory_space<hbm>>) target_semaphore(%arg12 : memref<!tpu.dma_semaphore, #tpu.memory_space<semaphore_mem>>)
    %dma_wait3A_205 = arith.constant 0 : i32
    %dma_wait3A_206 = tpu.memref_slice %arg4[%add3A_161, %dma_wait3A_205] : memref<36864x128xf32, #tpu.memory_space<hbm>> -> memref<128x128xf32, #tpu.memory_space<hbm>>
    %dma_wait3A_207 = arith.constant 0 : i32
    %dma_wait3A_208 = tpu.memref_slice %arg4[%add3A_161, %dma_wait3A_207] : memref<36864x128xf32, #tpu.memory_space<hbm>> -> memref<128x128xf32, #tpu.memory_space<hbm>>
    tpu.wait_dma2 semaphore(%arg12 : memref<!tpu.dma_semaphore, #tpu.memory_space<semaphore_mem>>) src(%arg7 : memref<128x128xf32, #tpu.memory_space<vmem>>) dst(%dma_wait3A_208 : memref<128x128xf32, #tpu.memory_space<hbm>>)
    %dma_wait3A_209 = arith.constant 0 : i32
    %dma_wait3A_210 = tpu.memref_slice %arg4[%add3A_174, %dma_wait3A_209] : memref<36864x128xf32, #tpu.memory_space<hbm>> -> memref<128x128xf32, #tpu.memory_space<hbm>>
    %dma_wait3A_211 = arith.constant 0 : i32
    %dma_wait3A_212 = tpu.memref_slice %arg4[%add3A_174, %dma_wait3A_211] : memref<36864x128xf32, #tpu.memory_space<hbm>> -> memref<128x128xf32, #tpu.memory_space<hbm>>
    tpu.wait_dma2 semaphore(%arg12 : memref<!tpu.dma_semaphore, #tpu.memory_space<semaphore_mem>>) src(%arg8 : memref<128x128xf32, #tpu.memory_space<vmem>>) dst(%dma_wait3A_212 : memref<128x128xf32, #tpu.memory_space<hbm>>)
    %dma_wait3A_213 = arith.constant 0 : i32
    %dma_wait3A_214 = tpu.memref_slice %arg4[%add3A_187, %dma_wait3A_213] : memref<36864x128xf32, #tpu.memory_space<hbm>> -> memref<128x128xf32, #tpu.memory_space<hbm>>
    %dma_wait3A_215 = arith.constant 0 : i32
    %dma_wait3A_216 = tpu.memref_slice %arg4[%add3A_187, %dma_wait3A_215] : memref<36864x128xf32, #tpu.memory_space<hbm>> -> memref<128x128xf32, #tpu.memory_space<hbm>>
    tpu.wait_dma2 semaphore(%arg12 : memref<!tpu.dma_semaphore, #tpu.memory_space<semaphore_mem>>) src(%arg9 : memref<128x128xf32, #tpu.memory_space<vmem>>) dst(%dma_wait3A_216 : memref<128x128xf32, #tpu.memory_space<hbm>>)
    %dma_wait3A_217 = arith.constant 0 : i32
    %dma_wait3A_218 = tpu.memref_slice %arg4[%add3A_200, %dma_wait3A_217] : memref<36864x128xf32, #tpu.memory_space<hbm>> -> memref<128x128xf32, #tpu.memory_space<hbm>>
    %dma_wait3A_219 = arith.constant 0 : i32
    %dma_wait3A_220 = tpu.memref_slice %arg4[%add3A_200, %dma_wait3A_219] : memref<36864x128xf32, #tpu.memory_space<hbm>> -> memref<128x128xf32, #tpu.memory_space<hbm>>
    tpu.wait_dma2 semaphore(%arg12 : memref<!tpu.dma_semaphore, #tpu.memory_space<semaphore_mem>>) src(%arg6 : memref<128x128xf32, #tpu.memory_space<vmem>>) dst(%dma_wait3A_220 : memref<128x128xf32, #tpu.memory_space<hbm>>)
    return
  }
}

module attributes {stable_mosaic.version = 14 : i64} {
  func.func @_argmin_body(%arg0: i32, %arg1: memref<64x6144xf32, #tpu.memory_space<vmem>>, %arg2: memref<64x1024xf32, #tpu.memory_space<vmem>>, %arg3: memref<6144xi32, #tpu.memory_space<vmem>>, %arg4: memref<1024x64xf32, #tpu.memory_space<vmem>>, %arg5: memref<1024x1xf32, #tpu.memory_space<vmem>>) attributes {dimension_semantics = [#tpu.dimension_semantics<arbitrary>], iteration_bounds = array<i64: 6>, scalar_prefetch = 0 : i64, scratch_operands = 2 : i64, tpu.core_type = #tpu.core_type<tc>, window_params = [{transform_indices = @transform_0, window_bounds = array<i64: 64, 6144>}, {pipeline_mode = #tpu.pipeline_mode<synchronous>, transform_indices = @transform_1, window_bounds = array<i64: 64, 1024>}, {transform_indices = @transform_2, window_bounds = array<i64: 6144>}]} {
    %eq3A = arith.constant 0 : i32
    %eq3A_0 = arith.cmpi eq, %arg0, %eq3A : i32
    %convert_element_type3A = arith.extui %eq3A_0 : i1 to i32
    %cond3A = arith.constant 0 : i32
    %cond3A_1 = arith.cmpi ne, %convert_element_type3A, %cond3A : i32
    scf.if %cond3A_1 {
      %get3A_13 = arith.constant 0 : index
      %get3A_14 = arith.constant 0 : index
      %get3A_15 = vector.load %arg2[%get3A_13, %get3A_14] : memref<64x1024xf32, #tpu.memory_space<vmem>>, vector<64x1024xf32>
      %transpose3A = tpu.transpose %get3A_15, [1, 0] : vector<64x1024xf32> -> vector<1024x64xf32>
      %add3A = arith.addf %transpose3A, %transpose3A : vector<1024x64xf32>
      %swap3A_16 = arith.constant 0 : index
      %swap3A_17 = arith.constant 0 : index
      %swap3A_18 = vector.load %arg4[%swap3A_16, %swap3A_17] : memref<1024x64xf32, #tpu.memory_space<vmem>>, vector<1024x64xf32>
      tpu.vector_store %arg4[%swap3A_16, %swap3A_17], %add3A {strides = array<i32>} : memref<1024x64xf32, #tpu.memory_space<vmem>>, vector<1024x64xf32>,
      %mul3A = arith.mulf %add3A, %add3A : vector<1024x64xf32>
      %reduce_sum3A = arith.constant dense<0.000000e+00> : vector<1024xf32>
      %reduce_sum3A_19 = vector.multi_reduction <add>, %mul3A, %reduce_sum3A [1] : vector<1024x64xf32> to vector<1024xf32>
      %broadcast_in_dim3A = vector.shape_cast %reduce_sum3A_19 : vector<1024xf32> to vector<1024x1xf32>
      %mul3A_20 = arith.constant 2.500000e-01 : f32
      %mul3A_21 = vector.broadcast %mul3A_20 : f32 to vector<1024x1xf32>
      %mul3A_22 = arith.mulf %mul3A_21, %broadcast_in_dim3A : vector<1024x1xf32>
      %swap3A_23 = arith.constant 0 : index
      %swap3A_24 = arith.constant 0 : index
      %swap3A_25 = vector.load %arg5[%swap3A_23, %swap3A_24] : memref<1024x1xf32, #tpu.memory_space<vmem>>, vector<1024x1xf32>
      tpu.vector_store %arg5[%swap3A_23, %swap3A_24], %mul3A_22 {strides = array<i32>} : memref<1024x1xf32, #tpu.memory_space<vmem>>, vector<1024x1xf32>,
    } else {
    }
    %get3A = arith.constant 0 : index
    %get3A_2 = arith.constant 0 : index
    %get3A_3 = vector.load %arg4[%get3A, %get3A_2] : memref<1024x64xf32, #tpu.memory_space<vmem>>, vector<1024x64xf32>
    %get3A_4 = arith.constant 0 : index
    %get3A_5 = arith.constant 0 : index
    %get3A_6 = vector.load %arg1[%get3A_4, %get3A_5] : memref<64x6144xf32, #tpu.memory_space<vmem>>, vector<64x6144xf32>
    %dot_general3A = arith.constant dense<0.000000e+00> : vector<1024x6144xf32>
    %dot_general3A_7 = tpu.matmul %get3A_3, %get3A_6, %dot_general3A {dimension_numbers = #tpu.dot_dimension_numbers<[1], [0], [0], [1], [0, 0, 1, 1], [], []>, transpose_lhs_hint = false} : vector<1024x64xf32>, vector<64x6144xf32>, vector<1024x6144xf32> -> vector<1024x6144xf32>
    %get3A_8 = arith.constant 0 : index
    %get3A_9 = arith.constant 0 : index
    %get3A_10 = vector.load %arg5[%get3A_8, %get3A_9] : memref<1024x1xf32, #tpu.memory_space<vmem>>, vector<1024x1xf32>
    %sub3A = vector.broadcast %get3A_10 : vector<1024x1xf32> to vector<1024x6144xf32>
    %sub3A_11 = arith.subf %sub3A, %dot_general3A_7 : vector<1024x6144xf32>
    %argmin3A = tpu.reduce_index %sub3A_11 {axis = 0 : i32, kind = #tpu.reduction_kind<arg_min>} : vector<1024x6144xf32> -> vector<6144xi32>
    %swap3A = arith.constant 0 : index
    %swap3A_12 = vector.load %arg3[%swap3A] : memref<6144xi32, #tpu.memory_space<vmem>>, vector<6144xi32>
    tpu.vector_store %arg3[%swap3A], %argmin3A {strides = array<i32>} : memref<6144xi32, #tpu.memory_space<vmem>>, vector<6144xi32>,
    return
  }
  func.func @transform_0(%arg0: i32) -> (i32, i32) {
    %c0_i32 = arith.constant 0 : i32
    %c0_i32_0 = arith.constant 0 : i32
    return %c0_i32, %arg0 : i32, i32
  }
  func.func @transform_1(%arg0: i32) -> (i32, i32) {
    %c0_i32 = arith.constant 0 : i32
    %c0_i32_0 = arith.constant 0 : i32
    %c0_i32_1 = arith.constant 0 : i32
    return %c0_i32, %c0_i32_0 : i32, i32
  }
  func.func @transform_2(%arg0: i32) -> i32 {
    %c0_i32 = arith.constant 0 : i32
    return %arg0 : i32
  }
}

module attributes {stable_mosaic.version = 14 : i64} {
  func.func @_stats_body(%arg0: i32, %arg1: memref<64x6144xf32, #tpu.memory_space<vmem>>, %arg2: memref<6144xi32, #tpu.memory_space<vmem>>, %arg3: memref<64x1024xf32, #tpu.memory_space<vmem>>, %arg4: memref<1024xf32, #tpu.memory_space<vmem>>, %arg5: memref<64x1024xf32, #tpu.memory_space<vmem>>, %arg6: memref<64x1024xf32, #tpu.memory_space<vmem>>, %arg7: memref<1024xf32, #tpu.memory_space<vmem>>, %arg8: memref<1024x72xf32, #tpu.memory_space<vmem>>) attributes {dimension_semantics = [#tpu.dimension_semantics<arbitrary>], iteration_bounds = array<i64: 6>, scalar_prefetch = 0 : i64, scratch_operands = 1 : i64, tpu.core_type = #tpu.core_type<tc>, window_params = [{transform_indices = @transform_0, window_bounds = array<i64: 64, 6144>}, {transform_indices = @transform_1, window_bounds = array<i64: 6144>}, {pipeline_mode = #tpu.pipeline_mode<synchronous>, transform_indices = @transform_2, window_bounds = array<i64: 64, 1024>}, {pipeline_mode = #tpu.pipeline_mode<synchronous>, transform_indices = @transform_3, window_bounds = array<i64: 1024>}, {pipeline_mode = #tpu.pipeline_mode<synchronous>, transform_indices = @transform_4, window_bounds = array<i64: 64, 1024>}, {pipeline_mode = #tpu.pipeline_mode<synchronous>, transform_indices = @transform_5, window_bounds = array<i64: 64, 1024>}, {pipeline_mode = #tpu.pipeline_mode<synchronous>, transform_indices = @transform_6, window_bounds = array<i64: 1024>}]} {
    %eq3A = arith.constant 0 : i32
    %eq3A_0 = arith.cmpi eq, %arg0, %eq3A : i32
    %convert_element_type3A = arith.extui %eq3A_0 : i1 to i32
    %cond3A = arith.constant 0 : i32
    %cond3A_1 = arith.cmpi ne, %convert_element_type3A, %cond3A : i32
    scf.if %cond3A_1 {
      %broadcast_in_dim3A_30 = arith.constant 0.000000e+00 : f32
      %broadcast_in_dim3A_31 = vector.broadcast %broadcast_in_dim3A_30 : f32 to vector<1024x72xf32>
      %swap3A_32 = arith.constant 0 : index
      %swap3A_33 = arith.constant 0 : index
      %swap3A_34 = vector.load %arg8[%swap3A_32, %swap3A_33] : memref<1024x72xf32, #tpu.memory_space<vmem>>, vector<1024x72xf32>
      tpu.vector_store %arg8[%swap3A_32, %swap3A_33], %broadcast_in_dim3A_31 {strides = array<i32>} : memref<1024x72xf32, #tpu.memory_space<vmem>>, vector<1024x72xf32>,
    } else {
    }
    %get3A = arith.constant 0 : index
    %get3A_2 = arith.constant 0 : index
    %get3A_3 = vector.load %arg1[%get3A, %get3A_2] : memref<64x6144xf32, #tpu.memory_space<vmem>>, vector<64x6144xf32>
    %get3A_4 = arith.constant 0 : index
    %get3A_5 = vector.load %arg2[%get3A_4] : memref<6144xi32, #tpu.memory_space<vmem>>, vector<6144xi32>
    %iota3A = tpu.iota {dimensions = array<i32: 0>} : vector<1024x6144xi32>
    %broadcast_in_dim3A = vector.shape_cast %get3A_5 : vector<6144xi32> to vector<1x6144xi32>
    %eq3A_6 = vector.broadcast %broadcast_in_dim3A : vector<1x6144xi32> to vector<1024x6144xi32>
    %eq3A_7 = arith.cmpi eq, %iota3A, %eq3A_6 : vector<1024x6144xi32>
    %convert_element_type3A_8 = arith.extui %eq3A_7 : vector<1024x6144xi1> to vector<1024x6144xi32>
    %convert_element_type3A_9 = arith.sitofp %convert_element_type3A_8 : vector<1024x6144xi32> to vector<1024x6144xf32>
    %convert_element_type3A_10 = arith.truncf %convert_element_type3A_9 : vector<1024x6144xf32> to vector<1024x6144xbf16>
    %iota3A_11 = tpu.iota {dimensions = array<i32: 0>} : vector<8x6144xi32>
    %eq3A_12 = arith.constant 0 : i32
    %eq3A_13 = vector.broadcast %eq3A_12 : i32 to vector<8x6144xi32>
    %eq3A_14 = arith.cmpi eq, %iota3A_11, %eq3A_13 : vector<8x6144xi32>
    %convert_element_type3A_15 = arith.extui %eq3A_14 : vector<8x6144xi1> to vector<8x6144xi32>
    %convert_element_type3A_16 = arith.sitofp %convert_element_type3A_15 : vector<8x6144xi32> to vector<8x6144xf32>
    %convert_element_type3A_17 = arith.truncf %convert_element_type3A_16 : vector<8x6144xf32> to vector<8x6144xbf16>
    %convert_element_type3A_18 = arith.truncf %get3A_3 : vector<64x6144xf32> to vector<64x6144xbf16>
    %concatenate3A = tpu.concatenate %convert_element_type3A_18, %convert_element_type3A_17 in 0 : vector<64x6144xbf16>, vector<8x6144xbf16> -> vector<72x6144xbf16>
    %get3A_19 = arith.constant 0 : index
    %get3A_20 = arith.constant 0 : index
    %get3A_21 = vector.load %arg8[%get3A_19, %get3A_20] : memref<1024x72xf32, #tpu.memory_space<vmem>>, vector<1024x72xf32>
    %dot_general3A = arith.constant dense<0.000000e+00> : vector<1024x72xf32>
    %dot_general3A_22 = tpu.matmul %convert_element_type3A_10, %concatenate3A, %dot_general3A {dimension_numbers = #tpu.dot_dimension_numbers<[1], [1], [0], [0], [0, 0, 1, 0], [], []>, transpose_lhs_hint = false} : vector<1024x6144xbf16>, vector<72x6144xbf16>, vector<1024x72xf32> -> vector<1024x72xf32>
    %add3A = arith.addf %get3A_21, %dot_general3A_22 : vector<1024x72xf32>
    %swap3A = arith.constant 0 : index
    %swap3A_23 = arith.constant 0 : index
    %swap3A_24 = vector.load %arg8[%swap3A, %swap3A_23] : memref<1024x72xf32, #tpu.memory_space<vmem>>, vector<1024x72xf32>
    tpu.vector_store %arg8[%swap3A, %swap3A_23], %add3A {strides = array<i32>} : memref<1024x72xf32, #tpu.memory_space<vmem>>, vector<1024x72xf32>,
    %eq3A_25 = arith.constant 5 : i32
    %eq3A_26 = arith.cmpi eq, %arg0, %eq3A_25 : i32
    %convert_element_type3A_27 = arith.extui %eq3A_26 : i1 to i32
    %cond3A_28 = arith.constant 0 : i32
    %cond3A_29 = arith.cmpi ne, %convert_element_type3A_27, %cond3A_28 : i32
    scf.if %cond3A_29 {
      %get3A_30 = arith.constant 0 : index
      %get3A_31 = arith.constant 0 : index
      %get3A_32 = vector.load %arg8[%get3A_30, %get3A_31] : memref<1024x72xf32, #tpu.memory_space<vmem>>, vector<1024x72xf32>
      %slice3A = vector.extract_strided_slice %get3A_32 {offsets = [0, 0], sizes = [1024, 64], strides = [1, 1]} : vector<1024x72xf32> to vector<1024x64xf32>
      %transpose3A = tpu.transpose %slice3A, [1, 0] : vector<1024x64xf32> -> vector<64x1024xf32>
      %slice3A_33 = vector.extract_strided_slice %get3A_32 {offsets = [0, 64], sizes = [1024, 8], strides = [1, 1]} : vector<1024x72xf32> to vector<1024x8xf32>
      %reduce_sum3A = arith.constant dense<0.000000e+00> : vector<1024xf32>
      %reduce_sum3A_34 = vector.multi_reduction <add>, %slice3A_33, %reduce_sum3A [1] : vector<1024x8xf32> to vector<1024xf32>
      %get3A_35 = arith.constant 0 : index
      %get3A_36 = arith.constant 0 : index
      %get3A_37 = vector.load %arg3[%get3A_35, %get3A_36] : memref<64x1024xf32, #tpu.memory_space<vmem>>, vector<64x1024xf32>
      %mul3A = arith.constant 9.900000e-01 : f32
      %mul3A_38 = vector.broadcast %mul3A : f32 to vector<64x1024xf32>
      %mul3A_39 = arith.mulf %get3A_37, %mul3A_38 : vector<64x1024xf32>
      %mul3A_40 = arith.constant 0.00999999977 : f32
      %mul3A_41 = vector.broadcast %mul3A_40 : f32 to vector<64x1024xf32>
      %mul3A_42 = arith.mulf %transpose3A, %mul3A_41 : vector<64x1024xf32>
      %add3A_43 = arith.addf %mul3A_39, %mul3A_42 : vector<64x1024xf32>
      %get3A_44 = arith.constant 0 : index
      %get3A_45 = vector.load %arg4[%get3A_44] : memref<1024xf32, #tpu.memory_space<vmem>>, vector<1024xf32>
      %mul3A_46 = arith.constant 9.900000e-01 : f32
      %mul3A_47 = vector.broadcast %mul3A_46 : f32 to vector<1024xf32>
      %mul3A_48 = arith.mulf %get3A_45, %mul3A_47 : vector<1024xf32>
      %mul3A_49 = arith.constant 0.00999999977 : f32
      %mul3A_50 = vector.broadcast %mul3A_49 : f32 to vector<1024xf32>
      %mul3A_51 = arith.mulf %reduce_sum3A_34, %mul3A_50 : vector<1024xf32>
      %add3A_52 = arith.addf %mul3A_48, %mul3A_51 : vector<1024xf32>
      %swap3A_53 = arith.constant 0 : index
      %swap3A_54 = arith.constant 0 : index
      %swap3A_55 = vector.load %arg6[%swap3A_53, %swap3A_54] : memref<64x1024xf32, #tpu.memory_space<vmem>>, vector<64x1024xf32>
      tpu.vector_store %arg6[%swap3A_53, %swap3A_54], %add3A_43 {strides = array<i32>} : memref<64x1024xf32, #tpu.memory_space<vmem>>, vector<64x1024xf32>,
      %swap3A_56 = arith.constant 0 : index
      %swap3A_57 = vector.load %arg7[%swap3A_56] : memref<1024xf32, #tpu.memory_space<vmem>>, vector<1024xf32>
      tpu.vector_store %arg7[%swap3A_56], %add3A_52 {strides = array<i32>} : memref<1024xf32, #tpu.memory_space<vmem>>, vector<1024xf32>,
      %broadcast_in_dim3A_58 = vector.shape_cast %add3A_52 : vector<1024xf32> to vector<1x1024xf32>
      %div3A = vector.broadcast %broadcast_in_dim3A_58 : vector<1x1024xf32> to vector<64x1024xf32>
      %div3A_59 = arith.divf %add3A_43, %div3A : vector<64x1024xf32>
      %swap3A_60 = arith.constant 0 : index
      %swap3A_61 = arith.constant 0 : index
      %swap3A_62 = vector.load %arg5[%swap3A_60, %swap3A_61] : memref<64x1024xf32, #tpu.memory_space<vmem>>, vector<64x1024xf32>
      tpu.vector_store %arg5[%swap3A_60, %swap3A_61], %div3A_59 {strides = array<i32>} : memref<64x1024xf32, #tpu.memory_space<vmem>>, vector<64x1024xf32>,
    } else {
    }
    return
  }
  func.func @transform_0(%arg0: i32) -> (i32, i32) {
    %c0_i32 = arith.constant 0 : i32
    %c0_i32_0 = arith.constant 0 : i32
    return %c0_i32, %arg0 : i32, i32
  }
  func.func @transform_1(%arg0: i32) -> i32 {
    %c0_i32 = arith.constant 0 : i32
    return %arg0 : i32
  }
  func.func @transform_2(%arg0: i32) -> (i32, i32) {
    %c0_i32 = arith.constant 0 : i32
    %c0_i32_0 = arith.constant 0 : i32
    %c0_i32_1 = arith.constant 0 : i32
    return %c0_i32, %c0_i32_0 : i32, i32
  }
  func.func @transform_3(%arg0: i32) -> i32 {
    %c0_i32 = arith.constant 0 : i32
    %c0_i32_0 = arith.constant 0 : i32
    return %c0_i32 : i32
  }
  func.func @transform_4(%arg0: i32) -> (i32, i32) {
    %c0_i32 = arith.constant 0 : i32
    %c0_i32_0 = arith.constant 0 : i32
    %c0_i32_1 = arith.constant 0 : i32
    return %c0_i32, %c0_i32_0 : i32, i32
  }
  func.func @transform_5(%arg0: i32) -> (i32, i32) {
    %c0_i32 = arith.constant 0 : i32
    %c0_i32_0 = arith.constant 0 : i32
    %c0_i32_1 = arith.constant 0 : i32
    return %c0_i32, %c0_i32_0 : i32, i32
  }
  func.func @transform_6(%arg0: i32) -> i32 {
    %c0_i32 = arith.constant 0 : i32
    %c0_i32_0 = arith.constant 0 : i32
    return %c0_i32 : i32
  }
}

</mosaic_0001>

<sc_bundles>
// kernel: kernel.5.cloned.1.call-start
scs
__scs_entry_jumppad:
0x0: {  	(pc) =	sbr.rel $0x88, $3  }
0x1: {  	(tag) =	ssettag $0x0;
	lr =	simm.s32 $0x1  }
0x2: {  	[smem:$0x3F9D] =	sst lr;
	_ =	strace $0xD0000000  }
0x3: {  	_ = 	snop  }
0x4: {  	_ = 	snop  }
0x5: {  	_ = 	snop  }
0x6: {  	_ = 	snop  }
0x7: {  	_ = 	snop  }
__scs_overlays_trampoline_lowered:
0x8: {  	[smem:$0x3FAC] =	sst s0  }
0x9: {  	[smem:$0x3FAD] =	sst s1  }
0xa: {  	[smem:$0x3FAE] =	sst s2  }
0xb: {  	[smem:$0x3FAF] =	sst s3  }
0xc: {  	[smem:$0x3FB0] =	sst s4  }
0xd: {  	[smem:$0x3FB1] =	sst s5  }
0xe: {  	[smem:$0x3FB2] =	sst s6  }
0xf: {  	[smem:$0x3FB3] =	sst s7  }
0x10: {  	[smem:$0x3FB4] =	sst s8  }
0x11: {  	[smem:$0x3FB5] =	sst s9;
	s0 =	simm.s32 @!p0 $0x0  }
0x12: {  	s1 =	sld [smem:$0x3F9B];
	s0 =	simm.s32 @p0 $0x1  }
0x13: {  	[smem:$0x3FB6] =	sst s0;
	s0 =	simm.s32 @!p1 $0x0  }
0x14: {  	s2 =	sld [smem:$0x3F9A];
	s0 =	simm.s32 @p1 $0x1  }
0x15: {  	[smem:$0x3FB7] =	sst s0;
	s0 =	simm.s32 @!p2 $0x0  }
0x16: {  	s3 =	sld [smem:$0x3FDB];
	s0 =	simm.s32 @p2 $0x1  }
0x17: {  	s4 =	simm.s32 $0x1BF5;
	[smem:$0x3FB9] =	sst s0  }
0x18: {  	s0 =	sld [smem:$0x3F9C];
	_ =	swait.ge [sflag:s4], $0x0  }
0x19: {  	s7 =	sld [smem:$0x3F9D]  }
0x1a: {  	s8 =	sadd.s32 $0xFFFFE003, lr  }
0x1b: {  	s9 =	sadd.s32 $0xFFFFFEF7, lr;
	s5 =	simm.s32 $0xFFFFFFFF;
	p2 =	slt.u32 s8, $0xFFFFF086  }
0x1c: {  	p1 =	slt.u32 s9, $0xF7A;
	s5 =	simm.s32 @!p2 $0x0  }
0x1d: {  	s5 =	simm.s32 @p1 $0x1;
	p0 =	seq.s32 s7, s2  }
0x1e: {  	s7 =	smul.u32 @!p0 $0xF7A, s2;
	p2 =	seq.s32 @!p0 s5, $0x0  }
0x1f: {  	s9 =	smul.u32 $0xF7A, s1;
	s8 =	simm.s32 @!p0 $0x1BF5;
	p2 =	por !p2, p0  }
0x20: {  	[sflag:s8] =	ssyncset.s32 @!p0 $0xFFFFF086;
	s6 =	sadd.s32 @!p0 s3, s7;
	s7 =	simm.s32 @!p0 $0x108  }
0x21: {  	s3 =	sadd.s32 s3, s9;
	s6 =	sadd.s32 @!p0 $0x88, s6;
	s7 =	simm.s32 @p2 $0x1082  }
0x22: {  	[simem:s7], [sflag:s8] =	dma.local @!p0 [hbm:s6], $0xF7A  }
0x23: {  	s9 =	sor.u32 $0xD0000000, s2;
	s6 =	simm.s32 $0x108;
	_ =	swait.ge @!p0 [sflag:s8], $0x0  }
0x24: {  	s3 =	sadd.s32 $0x88, s3;
	s6 =	simm.s32 @!p1 $0x1082;
	[sflag:s4] =	ssyncset.s32 $0xFFFFF086  }
0x25: {  	[simem:s6], [sflag:s4] =	dma.local [hbm:s3], $0xF7A  }
0x26: {  	[smem:$0x3F9D] =	sst s1;
	(tag) =	ssettag s2;
	_ =	strace s9  }
0x27: {  	s1 =	sld [smem:$0x3FAD]  }
0x28: {  	s2 =	sld [smem:$0x3FAE]  }
0x29: {  	s4 =	sld [smem:$0x3FB0]  }
0x2a: {  	p0 =	seq.s32 s5, $0x0;
	s5 =	sld [smem:$0x3FB1]  }
0x2b: {  	s6 =	sld [smem:$0x3FB2]  }
0x2c: {  	s7 =	sld [smem:$0x3FB3]  }
0x2d: {  	s3 =	simm.s32 $0x108;
	s8 =	sld [smem:$0x3FB4]  }
0x2e: {  	s3 =	simm.s32 @!p0 $0x1082;
	s9 =	sld [smem:$0x3FB5]  }
0x2f: {  	lr =	sadd.s32 s0, s3;
	s0 =	sld [smem:$0x3FAC]  }
0x30: {  	s3 =	sld [smem:$0x3FAF]  }
0x31: {  	[smem:$0x3FB8] =	sst s10  }
0x32: {  	s10 =	sld [smem:$0x3FB6];
	_ =	sdelay $0x3  }
0x33: {  	p0 =	seq.s32 s10, $0x1;
	s10 =	sld [smem:$0x3FB8];
	_ =	sdelay $0x3  }
0x34: {  	[smem:$0x3FB8] =	sst s10  }
0x35: {  	s10 =	sld [smem:$0x3FB7];
	_ =	sdelay $0x3  }
0x36: {  	p1 =	seq.s32 s10, $0x1;
	s10 =	sld [smem:$0x3FB8];
	_ =	sdelay $0x3  }
0x37: {  	[smem:$0x3FB8] =	sst s10  }
0x38: {  	s10 =	sld [smem:$0x3FB9]  }
0x39: {  	_ = 	snop;
	(pc) =	sbr.ind lr, $3  }
0x3a: {  	_ = 	snop  }
0x3b: {  	_ = 	snop  }
0x3c: {  	p2 =	seq.s32 s10, $0x1;
	s10 =	sld [smem:$0x3FB8]  }
0x3d: {  	_ =	shalt  }
0x3e: {  	_ =	shalt  }
0x3f: {  	_ =	shalt  }
0x40: {  	_ =	shalt  }
0x41: {  	_ =	shalt  }
0x42: {  	_ =	shalt  }
0x43: {  	_ =	shalt  }
0x44: {  	_ =	shalt  }
0x45: {  	_ =	shalt  }
0x46: {  	_ =	shalt  }
0x47: {  	_ =	shalt  }
0x48: {  	_ =	shalt  }
0x49: {  	_ =	shalt  }
0x4a: {  	_ =	shalt  }
0x4b: {  	_ =	shalt  }
0x4c: {  	_ =	shalt  }
0x4d: {  	_ =	shalt  }
0x4e: {  	_ =	shalt  }
0x4f: {  	_ =	shalt  }
0x50: {  	_ =	shalt  }
0x51: {  	_ =	shalt  }
0x52: {  	_ =	shalt  }
0x53: {  	_ =	shalt  }
0x54: {  	_ =	shalt  }
0x55: {  	_ =	shalt  }
0x56: {  	_ =	shalt  }
0x57: {  	_ =	shalt  }
0x58: {  	_ =	shalt  }
0x59: {  	_ =	shalt  }
0x5a: {  	_ =	shalt  }
0x5b: {  	_ =	shalt  }
0x5c: {  	_ =	shalt  }
0x5d: {  	_ =	shalt  }
0x5e: {  	_ =	shalt  }
0x5f: {  	_ =	shalt  }
0x60: {  	_ =	shalt  }
0x61: {  	_ =	shalt  }
0x62: {  	_ =	shalt  }
0x63: {  	_ =	shalt  }
0x64: {  	_ =	shalt  }
0x65: {  	_ =	shalt  }
0x66: {  	_ =	shalt  }
0x67: {  	_ =	shalt  }
0x68: {  	_ =	shalt  }
0x69: {  	_ =	shalt  }
0x6a: {  	_ =	shalt  }
0x6b: {  	_ =	shalt  }
0x6c: {  	_ =	shalt  }
0x6d: {  	_ =	shalt  }
0x6e: {  	_ =	shalt  }
0x6f: {  	_ =	shalt  }
0x70: {  	_ =	shalt  }
0x71: {  	_ =	shalt  }
0x72: {  	_ =	shalt  }
0x73: {  	_ =	shalt  }
0x74: {  	_ =	shalt  }
0x75: {  	_ =	shalt  }
0x76: {  	_ =	shalt  }
0x77: {  	_ =	shalt  }
0x78: {  	_ =	shalt  }
0x79: {  	_ =	shalt  }
0x7a: {  	_ =	shalt  }
0x7b: {  	_ =	shalt  }
0x7c: {  	_ =	shalt  }
0x7d: {  	_ =	shalt  }
0x7e: {  	_ =	shalt  }
0x7f: {  	_ =	shalt  }
0x80: {  	_ =	shalt  }
0x81: {  	_ =	shalt  }
0x82: {  	_ =	shalt  }
0x83: {  	_ =	shalt  }
0x84: {  	_ =	shalt  }
0x85: {  	_ =	shalt  }
0x86: {  	_ =	shalt  }
0x87: {  	_ =	shalt  }
.Lfunc_end0:
.L_simem_size_0:
called_computation_lowered:
.L_overlay_start_0:
0x88: {  	s2 =	sld [smem:$0x3FD9]  }
0x89: {  	s3 =	sld [smem:$0x3FFE];
	_ =	sdelay $0x1  }
0x8a: {  	s1 =	srdreg.scid  }
0x8b: {  	s0 =	sand.u32 $0x1, s1  }
0x8c: {  	s14 =	sshll.u32 s0, $0xA;
	s2 =	sadd.s32 s3, s2  }
0x8d: {  	s2 =	sadd.s32 s2, s14  }
0x8e: {  	[smem:$0x3FC4] =	sst s2  }
0x8f: {  	_ = 	snop  }
0x90: {  	s2 =	sld [smem:$0x3FD0];
	_ =	sdelay $0x2  }
0x91: {  	s15 =	simm.s32 $0xA;
	s4 =	simm.s32 $0x10  }
0x92: {  	[smem:s4], [sflag:s15] =	dma.local [hbm:s2], $0x1  }
0x93: {  	_ =	swait.eq [sflag:s15], $0x1  }
0x94: {  	[sflag:s15] =	ssyncset.done $0x0  }
0x95: {  	[sflag:s15] =	ssyncadd.s32 $0xFFFFFFFF  }
0x96: {  	s16 =	sld [smem:$0x10];
	(tm) =	ssettm $0x1  }
0x97: {  	s17 =	sld [smem:$0x3FFB];
	_ =	sdelay $0x3  }
0x98: {  	_ =	strace s17  }
0x99: {  	s3 =	sld [smem:$0x3FFC];
	_ =	sdelay $0x3  }
0x9a: {  	_ =	strace s3  }
0x9b: {  	s3 =	sld [smem:$0x3FFD];
	_ =	sdelay $0x3  }
0x9c: {  	_ =	strace s3  }
0x9d: {  	_ =	strace $0x8FFFFFFF  }
0x9e: {  	s18 =	sld [smem:$0x3FDB];
	_ =	sdelay $0x1  }
0x9f: {  	s19 =	simm.s32 $_scs_section_size  }
0xa0: {  	s5 =	simm.s32 $_size__tile_overlayer_lowered;
	s6 =	simm.s32 $_tile_overlayer_lowered  }
0xa1: {  	s22 =	simm.s32 $0x1BFF;
	s21 =	sshll.u32 s6, $0x1;
	s3 =	sadd.s32 s19, s18  }
0xa2: {  	s7 =	simm.s32 $0x0;
	s20 =	sshll.u32 s5, $0x1;
	s5 =	sadd.s32 s21, s3  }
0xa3: {  	[timem:s7], [sflag:s22] =	dma.local [hbm:s5], s20  }
0xa4: {  	_ =	swait.ge [sflag:s22], s20  }
0xa5: {  	s4 =	ssub.s32 $0x0, s20;
	[sflag:s22] =	ssyncset.done $0x0  }
0xa6: {  	[sflag:s22] =	ssyncadd.s32 s4;
	_ =	sdelay $0x1  }
0xa7: {  	s23 =	simm.s32 $0x1B8B  }
0xa8: {  	_ =	swait.ge [sflag:s23], $0x1  }
0xa9: {  	[sflag:s23] =	ssyncset.done $0x0  }
0xaa: {  	s25 =	simm.s32 $0x1B8E;
	s24 =	sld [smem:$0x3FFE];
	[sflag:s23] =	ssyncadd.s32 $0xFFFFFFFF  }
0xab: {  	s26 =	simm.s32 $execute0_lowered;
	[smem:$0x3FD2] =	sst s25  }
0xac: {  	s5 =	sshll.u32 s26, $0x1;
	_ =	strace $0x80000046;
	[dreg:$0x1] =	wrdreg $0xFFFFFFFF  }
0xad: {  	s28 =	simm.s32 $_size_execute0_lowered;
	s3 =	sadd.s32 s3, s5;
	[dreg:$0x0] =	wrdreg $0x0  }
0xae: {  	s5 =	sshll.u32 s28, $0x1;
	[dreg:$0x2] =	wrdreg s3  }
0xaf: {  	[dreg:$0x3] =	wrdreg s5  }
0xb0: {  	[dreg:$0x4] =	wrdreg $0xC0  }
0xb1: {  	_ =	task [dreg:s7], $0x5FFFF  }
0xb2: {  	[dreg:$0x1] =	wrdreg $0xFFFFFFFF  }
0xb3: {  	[dreg:$0x0] =	wrdreg $0x60  }
0xb4: {  	[dreg:$0x2] =	wrdreg s24  }
0xb5: {  	[dreg:$0x3] =	wrdreg s16  }
0xb6: {  	[dreg:$0x4] =	wrdreg $0x108000  }
0xb7: {  	[dreg:$0x5] =	wrdreg $0x9  }
0xb8: {  	_ =	task.clear_ibuf [dreg:s7], $0x6FFFF;
	_ =	strace $0x90000046  }
0xb9: {  	s29 =	simm.s32 $0x9;
	_ =	strace $0x80000048  }
0xba: {  	_ =	swait.ge [sflag:s29], $0x1  }
0xbb: {  	[sflag:s29] =	ssyncadd.s32 $0xFFFFFFFF  }
0xbc: {  	_ =	strace $0x90000048  }
0xbd: {  	_ =	sfence  }
0xbe: {  	s30 =	sld [smem:$0x0];
	_ =	sdelay $0x2  }
0xbf: {  	s31 =	sshll.u32 s1, $0xD;
	s1 =	sshrl.u32 s1, $0x2  }
0xc0: {  	s3 =	sand.u32 $0x4000, s31;
	s1 =	sadd.s32 s1, s30  }
0xc1: {  	s0 =	sor.u32 s3, s0;
	s1 =	sshll.u32 s1, $0x11  }
0xc2: {  	s0 =	sor.u32 s1, s0  }
0xc3: {  	s0 =	sadd.s32 $0x8F2B, s0  }
0xc4: {  	[sflag:s0] =	ssyncadd.remote.s32 $0x1  }
0xc5: {  	_ =	sfence.sel $0xFFFF  }
0xc6: {  	[dreg:$0x0] =	wrdreg $0xFFFFFFFF;
	(pc) =	sbr.abs _section_cstart, $3  }
0xc7: {  	[dreg:$0x1] =	wrdreg $0xFFFFFFFF  }
0xc8: {  	_ =	task.clear_ibuf [dreg:s7], $0x2FFFF;
	_ =	strace $0x9FFFFFFF  }
0xc9: {  	(tm) =	ssettm $0x7FFFFFFF  }
tec
execute0_lowered:
.L_overlay_start_1:
0x0: {  	(tag) =	ssettag $0x1  }
0x1: {  	s16 =	rddreg [dreg:$0x0]  }
0x2: {  	s0 =	rddreg [dreg:$0x1]  }
0x3: {  	s2 =	rddreg [dreg:$0x2]  }
0x4: {  	s3 =	simm.s32 $0x0;
	s1 =	stileid.u32;
	s5 =	srdreg.scid  }
0x5: {  	s6 =	simm.s32 $0x3;
	[smem:$0x7FF] =	sst s3;
	s4 =	sshll.u32 s1, $0xA  }
0x6: {  	s23 =	sshll.u32 s1, $0x1;
	s24 =	sshll.u32 s1, $0xD;
	s25 =	sshll.u32 s1, $0x6  }
0x7: {  	_ =	strace $0x80000047;
	s4 =	sadd.s32 s0, s4;
	s0 =	sand.u32 $0x1, s5  }
0x8: {  	s5 =	sadd.s32 s24, s2;
	[dreg:$0x4] =	wrdreg s4;
	s18 =	sor.u32 s0, s23  }
0x9: {  	s4 =	sor.u32 $0x1C03, s25;
	s5 =	sshrl.u32 s5, $0x3;
	s7 =	rddreg [dreg:$0x4]  }
0xa: {  	[spmem:s5], [sflag:s4] =	dma.local [hbm:s7], $0x400  }
0xb: {  	s26 =	sshll.u32 s18, $0x8;
	_ =	swait.ge [sflag:s6], $0x400  }
0xc: {  	s7 =	sadd.s32 s26, s16;
	[sflag:s6] =	ssyncset.done $0x0  }
0xd: {  	s7 =	sadd.s32 $0xE00, s7;
	[sflag:s6] =	ssyncadd.s32 $0xFFFFFC00  }
0xe: {  	[tilespmem:s3], [sflag:$0x3] =	stream.linear.gather [hbm4b:s7+s3], $0x480, $0x38;
	[tilespmem:$0x12800] =	vst v63  }
0xf: {  	_ =	swait.ge [sflag:s6], $0x480  }
0x10: {  	[sflag:s6] =	ssyncset.done $0x0  }
0x11: {  	[sflag:s6] =	ssyncadd.s32 $0xFFFFFB80  }
0x12: {  	s8 =	simm.s32 $0x80;
	s9 =	simm.s32 $0x800;
	[bflag:$0x0] =	sbarrier.arrive $0xFFFF  }
0x13: {  	[tilespmem:s9], [sflag:$0x1] =	stream.indirect.gather [spmem:s2], $0x80, s3, s8, $0xb8;
	[tilespmem:$0x12800] =	vst v63  }
0x14: {  	s10 =	simm.s32 $0x4800  }
0x15: {  	[tilespmem:s10], [sflag:$0x1] =	stream.indirect.gather [spmem:s2], $0x80, s8, s8, $0xb8;
	[tilespmem:$0x12800] =	vst v63  }
0x16: {  	s11 =	simm.s32 $0x100;
	s12 =	simm.s32 $0x8800  }
0x17: {  	[tilespmem:s12], [sflag:$0x1] =	stream.indirect.gather [spmem:s2], $0x80, s11, s8, $0xb8;
	[tilespmem:$0x12800] =	vst v63  }
0x18: {  	s13 =	simm.s32 $0x180;
	s14 =	simm.s32 $0xC800;
	s15 =	simm.s32 $0x1  }
0x19: {  	[tilespmem:s14], [sflag:$0x1] =	stream.indirect.gather [spmem:s2], $0x80, s13, s8, $0xb8;
	[tilespmem:$0x12800] =	vst v63  }
0x1a: {  	s17 =	smul.u32 $0x4800, s18;
	_ =	swait.ge [sflag:s15], $0x4000  }
0x1b: {  	s19 =	sadd.s32 $0x2E00, s16;
	[sflag:s15] =	ssyncset.done $0x0  }
0x1c: {  	s16 =	simm.s32 $0x2;
	s17 =	sadd.s32 s19, s17;
	[sflag:s15] =	ssyncadd.s32 $0xFFFFC000  }
0x1d: {  	[hbm4b:s17+s3] =	stream.linear.scatter [tilespmem:s9], [sflag:$0x2], $0x4000, $0x38;
	[tilespmem:$0x12800] =	vst v63  }
0x1e: {  	_ =	swait.ge [sflag:s16], $0x4000  }
0x1f: {  	[sflag:s16] =	ssyncset.done $0x0  }
0x20: {  	s20 =	smul.u32 $0x24000, s18;
	s18 =	simm.s32 $0x200;
	[sflag:s16] =	ssyncadd.s32 $0xFFFFC000  }
0x21: {  	[tilespmem:s9], [sflag:$0x1] =	stream.indirect.gather [spmem:s2], $0x80, s18, s8, $0xb8;
	[tilespmem:$0x12800] =	vst v63  }
0x22: {  	s20 =	sshrl.u32 s20, $0x3;
	_ =	swait.ge [sflag:s15], $0x4000  }
0x23: {  	s31 =	sadd.s32 s19, s20;
	[sflag:s15] =	ssyncset.done $0x0  }
0x24: {  	s19 =	sadd.s32 $0x800, s31;
	[sflag:s15] =	ssyncadd.s32 $0xFFFFC000  }
0x25: {  	[hbm4b:s19+s3] =	stream.linear.scatter [tilespmem:s10], [sflag:$0x2], $0x4000, $0x38;
	[tilespmem:$0x12800] =	vst v63  }
0x26: {  	_ =	swait.ge [sflag:s16], $0x4000  }
0x27: {  	[sflag:s16] =	ssyncset.done $0x0  }
0x28: {  	s20 =	simm.s32 $0x280;
	[sflag:s16] =	ssyncadd.s32 $0xFFFFC000  }
0x29: {  	[tilespmem:s10], [sflag:$0x1] =	stream.indirect.gather [spmem:s2], $0x80, s20, s8, $0xb8;
	[tilespmem:$0x12800] =	vst v63  }
0x2a: {  	_ =	swait.ge [sflag:s15], $0x4000  }
0x2b: {  	[sflag:s15] =	ssyncset.done $0x0  }
0x2c: {  	s21 =	sadd.s32 $0x1000, s31;
	[sflag:s15] =	ssyncadd.s32 $0xFFFFC000  }
0x2d: {  	[hbm4b:s21+s3] =	stream.linear.scatter [tilespmem:s12], [sflag:$0x2], $0x4000, $0x38;
	[tilespmem:$0x12800] =	vst v63  }
0x2e: {  	_ =	swait.ge [sflag:s16], $0x4000  }
0x2f: {  	[sflag:s16] =	ssyncset.done $0x0  }
0x30: {  	s22 =	simm.s32 $0x300;
	[sflag:s16] =	ssyncadd.s32 $0xFFFFC000  }
0x31: {  	[tilespmem:s12], [sflag:$0x1] =	stream.indirect.gather [spmem:s2], $0x80, s22, s8, $0xb8;
	[tilespmem:$0x12800] =	vst v63  }
0x32: {  	_ =	swait.ge [sflag:s15], $0x4000  }
0x33: {  	[sflag:s15] =	ssyncset.done $0x0  }
0x34: {  	s23 =	sadd.s32 $0x1800, s31;
	[sflag:s15] =	ssyncadd.s32 $0xFFFFC000  }
0x35: {  	[hbm4b:s23+s3] =	stream.linear.scatter [tilespmem:s14], [sflag:$0x2], $0x4000, $0x38;
	[tilespmem:$0x12800] =	vst v63  }
0x36: {  	_ =	swait.ge [sflag:s16], $0x4000  }
0x37: {  	[sflag:s16] =	ssyncset.done $0x0  }
0x38: {  	s24 =	simm.s32 $0x380;
	[sflag:s16] =	ssyncadd.s32 $0xFFFFC000  }
0x39: {  	[tilespmem:s14], [sflag:$0x1] =	stream.indirect.gather [spmem:s2], $0x80, s24, s8, $0xb8;
	[tilespmem:$0x12800] =	vst v63  }
0x3a: {  	_ =	swait.ge [sflag:s15], $0x4000  }
0x3b: {  	[sflag:s15] =	ssyncset.done $0x0  }
0x3c: {  	s25 =	sadd.s32 $0x2000, s31;
	[sflag:s15] =	ssyncadd.s32 $0xFFFFC000  }
0x3d: {  	[hbm4b:s25+s3] =	stream.linear.scatter [tilespmem:s9], [sflag:$0x2], $0x4000, $0x38;
	[tilespmem:$0x12800] =	vst v63  }
0x3e: {  	_ =	swait.ge [sflag:s16], $0x4000  }
0x3f: {  	[sflag:s16] =	ssyncset.done $0x0  }
0x40: {  	s26 =	simm.s32 $0x400;
	[sflag:s16] =	ssyncadd.s32 $0xFFFFC000  }
0x41: {  	[tilespmem:s9], [sflag:$0x1] =	stream.indirect.gather [spmem:s2], $0x80, s26, s8, $0xb8;
	[tilespmem:$0x12800] =	vst v63  }
0x42: {  	_ =	swait.ge [sflag:s15], $0x4000  }
0x43: {  	[sflag:s15] =	ssyncset.done $0x0  }
0x44: {  	s28 =	sadd.s32 $0x2800, s31;
	[sflag:s15] =	ssyncadd.s32 $0xFFFFC000  }
0x45: {  	[hbm4b:s28+s3] =	stream.linear.scatter [tilespmem:s10], [sflag:$0x2], $0x4000, $0x38;
	[tilespmem:$0x12800] =	vst v63  }
0x46: {  	_ =	swait.ge [sflag:s15], $0x4000  }
0x47: {  	[sflag:s15] =	ssyncset.done $0x0  }
0x48: {  	s29 =	sadd.s32 $0x3000, s31;
	[sflag:s15] =	ssyncadd.s32 $0xFFFFC000  }
0x49: {  	[hbm4b:s29+s3] =	stream.linear.scatter [tilespmem:s12], [sflag:$0x2], $0x4000, $0x38;
	[tilespmem:$0x12800] =	vst v63  }
0x4a: {  	_ =	swait.ge [sflag:s15], $0x4000  }
0x4b: {  	[sflag:s15] =	ssyncset.done $0x0  }
0x4c: {  	s30 =	sadd.s32 $0x3800, s31;
	[sflag:s15] =	ssyncadd.s32 $0xFFFFC000  }
0x4d: {  	[hbm4b:s30+s3] =	stream.linear.scatter [tilespmem:s14], [sflag:$0x2], $0x4000, $0x38;
	[tilespmem:$0x12800] =	vst v63  }
0x4e: {  	_ =	swait.ge [sflag:s15], $0x4000  }
0x4f: {  	[sflag:s15] =	ssyncset.done $0x0  }
0x50: {  	s31 =	sadd.s32 $0x4000, s31;
	[sflag:s15] =	ssyncadd.s32 $0xFFFFC000  }
0x51: {  	[hbm4b:s31+s3] =	stream.linear.scatter [tilespmem:s9], [sflag:$0x2], $0x4000, $0x38;
	[tilespmem:$0x12800] =	vst v63  }
0x52: {  	s0 =	ssub.s32 $0x2, s0;
	_ =	swait.ge [sflag:s16], $0x4000  }
0x53: {  	s1 =	sshrl.u32 s0, $0x1;
	[sflag:s16] =	ssyncset.done $0x0  }
0x54: {  	s0 =	ssub.s32 s0, s1;
	[sflag:s16] =	ssyncadd.s32 $0xFFFFC000  }
0x55: {  	s0 =	smax.u32 s0, $0x1;
	_ =	swait.ge [sflag:s16], $0x4000  }
0x56: {  	p0 =	sne.s32 s0, $0x1;
	[sflag:s16] =	ssyncset.done $0x0  }
.Ltmp0:
0x57: {  	[sflag:s16] =	ssyncadd.s32 $0xFFFFC000;
	(pc) =	sbr.rel @!p0 .LBB2_2-.Ltmp0, $4  }
0x58: {  	_ =	swait.ge [sflag:s16], $0x4000  }
0x59: {  	[sflag:s16] =	ssyncset.done $0x0  }
0x5a: {  	[sflag:s16] =	ssyncadd.s32 $0xFFFFC000  }
0x5b: {  	s0 =	sadd.s32 $0xFFFFFFFF, s0;
	_ =	swait.ge [sflag:s16], $0x4000  }
.LBB2_1:
0x5c: {  	[sflag:s16] =	ssyncset.done $0x0  }
0x5d: {  	s1 =	rddreg [dreg:$0x4];
	[sflag:s16] =	ssyncadd.s32 $0xFFFFC000  }
0x5e: {  	[spmem:s5], [sflag:s4] =	dma.local [hbm:s1], $0x400  }
0x5f: {  	_ =	swait.ge [sflag:s6], $0x400  }
0x60: {  	[sflag:s6] =	ssyncset.done $0x0  }
0x61: {  	[sflag:s6] =	ssyncadd.s32 $0xFFFFFC00  }
0x62: {  	[tilespmem:s3], [sflag:$0x3] =	stream.linear.gather [hbm4b:s7+s3], $0x480, $0x38;
	[tilespmem:$0x12800] =	vst v63  }
0x63: {  	_ =	swait.ge [sflag:s6], $0x480  }
0x64: {  	[sflag:s6] =	ssyncset.done $0x0  }
0x65: {  	[sflag:s6] =	ssyncadd.s32 $0xFFFFFB80  }
0x66: {  	[bflag:$0x0] =	sbarrier.arrive $0xFFFF  }
0x67: {  	[tilespmem:s9], [sflag:$0x1] =	stream.indirect.gather [spmem:s2], $0x80, s3, s8, $0xb8;
	[tilespmem:$0x12800] =	vst v63  }
0x68: {  	_ = 	snop  }
0x69: {  	[tilespmem:s10], [sflag:$0x1] =	stream.indirect.gather [spmem:s2], $0x80, s8, s8, $0xb8;
	[tilespmem:$0x12800] =	vst v63  }
0x6a: {  	_ = 	snop  }
0x6b: {  	[tilespmem:s12], [sflag:$0x1] =	stream.indirect.gather [spmem:s2], $0x80, s11, s8, $0xb8;
	[tilespmem:$0x12800] =	vst v63  }
0x6c: {  	_ = 	snop  }
0x6d: {  	[tilespmem:s14], [sflag:$0x1] =	stream.indirect.gather [spmem:s2], $0x80, s13, s8, $0xb8;
	[tilespmem:$0x12800] =	vst v63  }
0x6e: {  	_ =	swait.ge [sflag:s15], $0x4000  }
0x6f: {  	[sflag:s15] =	ssyncset.done $0x0  }
0x70: {  	[sflag:s15] =	ssyncadd.s32 $0xFFFFC000  }
0x71: {  	[hbm4b:s17+s3] =	stream.linear.scatter [tilespmem:s9], [sflag:$0x2], $0x4000, $0x38;
	[tilespmem:$0x12800] =	vst v63  }
0x72: {  	_ =	swait.ge [sflag:s16], $0x4000  }
0x73: {  	[sflag:s16] =	ssyncset.done $0x0  }
0x74: {  	[sflag:s16] =	ssyncadd.s32 $0xFFFFC000  }
0x75: {  	[tilespmem:s9], [sflag:$0x1] =	stream.indirect.gather [spmem:s2], $0x80, s18, s8, $0xb8;
	[tilespmem:$0x12800] =	vst v63  }
0x76: {  	_ =	swait.ge [sflag:s15], $0x4000  }
0x77: {  	[sflag:s15] =	ssyncset.done $0x0  }
0x78: {  	[sflag:s15] =	ssyncadd.s32 $0xFFFFC000  }
0x79: {  	[hbm4b:s19+s3] =	stream.linear.scatter [tilespmem:s10], [sflag:$0x2], $0x4000, $0x38;
	[tilespmem:$0x12800] =	vst v63  }
0x7a: {  	_ =	swait.ge [sflag:s16], $0x4000  }
0x7b: {  	[sflag:s16] =	ssyncset.done $0x0  }
0x7c: {  	[sflag:s16] =	ssyncadd.s32 $0xFFFFC000  }
0x7d: {  	[tilespmem:s10], [sflag:$0x1] =	stream.indirect.gather [spmem:s2], $0x80, s20, s8, $0xb8;
	[tilespmem:$0x12800] =	vst v63  }
0x7e: {  	_ =	swait.ge [sflag:s15], $0x4000  }
0x7f: {  	[sflag:s15] =	ssyncset.done $0x0  }
0x80: {  	[sflag:s15] =	ssyncadd.s32 $0xFFFFC000  }
0x81: {  	[hbm4b:s21+s3] =	stream.linear.scatter [tilespmem:s12], [sflag:$0x2], $0x4000, $0x38;
	[tilespmem:$0x12800] =	vst v63  }
0x82: {  	_ =	swait.ge [sflag:s16], $0x4000  }
0x83: {  	[sflag:s16] =	ssyncset.done $0x0  }
0x84: {  	[sflag:s16] =	ssyncadd.s32 $0xFFFFC000  }
0x85: {  	[tilespmem:s12], [sflag:$0x1] =	stream.indirect.gather [spmem:s2], $0x80, s22, s8, $0xb8;
	[tilespmem:$0x12800] =	vst v63  }
0x86: {  	_ =	swait.ge [sflag:s15], $0x4000  }
0x87: {  	[sflag:s15] =	ssyncset.done $0x0  }
0x88: {  	[sflag:s15] =	ssyncadd.s32 $0xFFFFC000  }
0x89: {  	[hbm4b:s23+s3] =	stream.linear.scatter [tilespmem:s14], [sflag:$0x2], $0x4000, $0x38;
	[tilespmem:$0x12800] =	vst v63  }
0x8a: {  	_ =	swait.ge [sflag:s16], $0x4000  }
0x8b: {  	[sflag:s16] =	ssyncset.done $0x0  }
0x8c: {  	[sflag:s16] =	ssyncadd.s32 $0xFFFFC000  }
0x8d: {  	[tilespmem:s14], [sflag:$0x1] =	stream.indirect.gather [spmem:s2], $0x80, s24, s8, $0xb8;
	[tilespmem:$0x12800] =	vst v63  }
0x8e: {  	_ =	swait.ge [sflag:s15], $0x4000  }
0x8f: {  	[sflag:s15] =	ssyncset.done $0x0  }
0x90: {  	[sflag:s15] =	ssyncadd.s32 $0xFFFFC000  }
0x91: {  	[hbm4b:s25+s3] =	stream.linear.scatter [tilespmem:s9], [sflag:$0x2], $0x4000, $0x38;
	[tilespmem:$0x12800] =	vst v63  }
0x92: {  	_ =	swait.ge [sflag:s16], $0x4000  }
0x93: {  	[sflag:s16] =	ssyncset.done $0x0  }
0x94: {  	[sflag:s16] =	ssyncadd.s32 $0xFFFFC000  }
0x95: {  	[tilespmem:s9], [sflag:$0x1] =	stream.indirect.gather [spmem:s2], $0x80, s26, s8, $0xb8;
	[tilespmem:$0x12800] =	vst v63  }
0x96: {  	_ =	swait.ge [sflag:s15], $0x4000  }
0x97: {  	[sflag:s15] =	ssyncset.done $0x0  }
0x98: {  	[sflag:s15] =	ssyncadd.s32 $0xFFFFC000  }
0x99: {  	[hbm4b:s28+s3] =	stream.linear.scatter [tilespmem:s10], [sflag:$0x2], $0x4000, $0x38;
	[tilespmem:$0x12800] =	vst v63  }
0x9a: {  	_ =	swait.ge [sflag:s15], $0x4000  }
0x9b: {  	[sflag:s15] =	ssyncset.done $0x0  }
0x9c: {  	[sflag:s15] =	ssyncadd.s32 $0xFFFFC000  }
0x9d: {  	[hbm4b:s29+s3] =	stream.linear.scatter [tilespmem:s12], [sflag:$0x2], $0x4000, $0x38;
	[tilespmem:$0x12800] =	vst v63  }
0x9e: {  	_ =	swait.ge [sflag:s15], $0x4000  }
0x9f: {  	[sflag:s15] =	ssyncset.done $0x0  }
0xa0: {  	[sflag:s15] =	ssyncadd.s32 $0xFFFFC000  }
0xa1: {  	[hbm4b:s30+s3] =	stream.linear.scatter [tilespmem:s14], [sflag:$0x2], $0x4000, $0x38;
	[tilespmem:$0x12800] =	vst v63  }
0xa2: {  	_ =	swait.ge [sflag:s15], $0x4000  }
0xa3: {  	[sflag:s15] =	ssyncset.done $0x0  }
0xa4: {  	[sflag:s15] =	ssyncadd.s32 $0xFFFFC000  }
0xa5: {  	[hbm4b:s31+s3] =	stream.linear.scatter [tilespmem:s9], [sflag:$0x2], $0x4000, $0x38;
	[tilespmem:$0x12800] =	vst v63  }
0xa6: {  	_ =	swait.ge [sflag:s16], $0x4000  }
0xa7: {  	[sflag:s16] =	ssyncset.done $0x0  }
0xa8: {  	[sflag:s16] =	ssyncadd.s32 $0xFFFFC000  }
0xa9: {  	_ =	swait.ge [sflag:s16], $0x4000  }
0xaa: {  	p0 =	sne.s32 s0, $0x1;
	[sflag:s16] =	ssyncset.done $0x0  }
.Ltmp1:
0xab: {  	[sflag:s16] =	ssyncadd.s32 $0xFFFFC000;
	(pc) =	sbr.rel @p0 .LBB2_1-.Ltmp1, $4  }
0xac: {  	_ =	swait.ge [sflag:s16], $0x4000  }
0xad: {  	[sflag:s16] =	ssyncset.done $0x0  }
0xae: {  	[sflag:s16] =	ssyncadd.s32 $0xFFFFC000  }
0xaf: {  	s0 =	sadd.s32 $0xFFFFFFFF, s0;
	_ =	swait.ge [sflag:s16], $0x4000  }
.LBB2_2:
0xb0: {  	[sflag:s16] =	ssyncset.done $0x0  }
0xb1: {  	[sflag:s16] =	ssyncadd.s32 $0xFFFFC000  }
0xb2: {  	_ =	sfence.sel $0x180000  }
0xb3: {  	[bflag:$0x0] =	sbarrier.arrive $0xFFFF  }
0xb4: {  	_ =	strace $0x90000047  }
0xb5: {  	s0 =	stileid.u32;
	[bflag:$0x2] =	sbarrier.arrive $0xFFFF  }
0xb6: {  	p0 =	sne.s32 s0, $0x0;
	s0 =	rddreg [dreg:$0x3]  }
0xb7: {  	s0 =	sadd.s32 @!p0 $0x100000, s0  }
0xb8: {  	[sflag:s0] =	ssyncadd.tile.s32 @!p0 $0x1;
	_ =	shalt  }
.Lfunc_end2:
_tile_overlayer_lowered:
.L_overlay_start_2:
0xb9: {  	(tag) =	ssettag $0x2  }
0xba: {  	s0 =	rddreg [dreg:$0x0];
	s2 =	stileid.u32  }
0xbb: {  	s1 =	rddreg [dreg:$0x1];
	p0 =	sne.s32 s2, $0x0  }
0xbc: {  	s3 =	rddreg [dreg:$0x2];
	[bflag:$0x3] =	sbarrier.arrive $0xFFFF;
	s2 =	simm.s32 @!p0 $0x1C03  }
0xbd: {  	[timem:s3], [sflag:s2] =	dma.local @!p0 [hbm:s0], s1  }
0xbe: {  	s0 =	simm.s32 @!p0 $0x3  }
0xbf: {  	_ =	swait.ge @!p0 [sflag:s0], s1  }
0xc0: {  	s1 =	ssub.s32 @!p0 $0x0, s1;
	[sflag:s0] =	ssyncset.done @!p0 $0x0  }
0xc1: {  	[sflag:s0] =	ssyncadd.s32 @!p0 s1  }
0xc2: {  	[bflag:$0x3] =	sbarrier.arrive $0xFFFF  }
0xc3: {  	_ =	shalt  }

</sc_bundles>
